<compile_context>
chip_gen: v7x
topology: tpu7x:2x2x1
jax: 0.10.2.dev20260603
libtpu: 0.0.44.dev20260713+nightly
codegen_flags: <defaults>
</compile_context>

<pallas_src>
import jax
import jax.numpy as jnp
from jax import lax
from jax.experimental import pallas as pl
from jax.experimental.pallas import tpu as pltpu
from jax.experimental.pallas import tpu_sc as plsc

N, H, E, K, I = 2048, 2048, 8, 2, 1408
TM = 256
NBR = (N * K + E * (TM - 1) + TM - 1) // TM
PR = NBR * TM
NBB = ((NBR + 7) // 8) * 8
SM = 256
NEG = -1e30


def _router_body(x_ref, gw_ref, wts_ref, dests_ref, bexp_ref):
    x = x_ref[...]
    gw = gw_ref[...]
    logits = lax.dot_general(x, gw, (((1,), (1,)), ((), ())),
                             preferred_element_type=jnp.float32)
    lanes = lax.broadcasted_iota(jnp.int32, (N, E), 1)
    m1 = jnp.max(logits, axis=1, keepdims=True)
    i1 = jnp.min(jnp.where(logits == m1, lanes, E), axis=1, keepdims=True)
    masked = jnp.where(lanes == i1, NEG, logits)
    m2 = jnp.max(masked, axis=1, keepdims=True)
    i2 = jnp.min(jnp.where(masked == m2, lanes, E), axis=1, keepdims=True)
    w0 = 1.0 / (1.0 + jnp.exp(m2 - m1))
    w1_ = 1.0 - w0
    m0mask = (lanes == i1).astype(jnp.float32)
    m1mask = (lanes == i2).astype(jnp.float32)
    rr = lax.broadcasted_iota(jnp.int32, (N, N), 0)
    cc = lax.broadcasted_iota(jnp.int32, (N, N), 1)
    lt = (rr >= cc).astype(jnp.float32)
    c0 = lax.dot_general(lt, m0mask, (((1,), (0,)), ((), ())),
                         preferred_element_type=jnp.float32)
    c1 = lax.dot_general(lt, m1mask, (((1,), (0,)), ((), ())),
                         preferred_element_type=jnp.float32)
    tot0 = c0[N - 1:N, :]
    tot1 = c1[N - 1:N, :]
    cnt = tot0 + tot1
    pc = jnp.ceil(cnt / TM) * TM
    er = lax.broadcasted_iota(jnp.int32, (E, E), 0)
    ec = lax.broadcasted_iota(jnp.int32, (E, E), 1)
    sut = (er < ec).astype(jnp.float32)
    base = lax.dot_general(pc, sut, (((1,), (0,)), ((), ())),
                           preferred_element_type=jnp.float32)
    d0 = jnp.sum(m0mask * (base + c0 - 1.0), axis=1, keepdims=True)
    d1 = jnp.sum(m1mask * (base + tot0 + c1 - 1.0), axis=1, keepdims=True)
    dests_ref[...] = jnp.concatenate(
        [d0.astype(jnp.int32), d1.astype(jnp.int32),
         jnp.zeros((N, 6), jnp.int32)], axis=1)
    wts_ref[...] = jnp.concatenate(
        [w0, w1_, jnp.zeros((N, 6), jnp.float32)], axis=1)
    incl = base + pc
    bs = lax.broadcasted_iota(jnp.int32, (NBB, 1), 0).astype(jnp.float32) * TM
    be = jnp.sum((bs >= incl).astype(jnp.float32), axis=1, keepdims=True)
    be = jnp.minimum(be, float(E - 1))
    nact = jnp.sum(pc, axis=1, keepdims=True) / TM
    bexp_ref[...] = jnp.concatenate(
        [be.astype(jnp.int32),
         jnp.broadcast_to(nact.astype(jnp.int32), (NBB, 1)),
         jnp.zeros((NBB, 6), jnp.int32)], axis=1)


def _router(x, gw):
    return pl.pallas_call(
        _router_body,
        grid=(1,),
        in_specs=[pl.BlockSpec((N, H), lambda i: (0, 0)),
                  pl.BlockSpec((E, H), lambda i: (0, 0))],
        out_specs=[pl.BlockSpec((N, 8), lambda i: (0, 0)),
                   pl.BlockSpec((N, 8), lambda i: (0, 0)),
                   pl.BlockSpec((NBB, 8), lambda i: (0, 0))],
        out_shape=[jax.ShapeDtypeStruct((N, 8), jnp.float32),
                   jax.ShapeDtypeStruct((N, 8), jnp.int32),
                   jax.ShapeDtypeStruct((NBB, 8), jnp.int32)],
    )(x, gw)


def _sc_scatter_body(x_hbm, drs_hbm, xg_hbm, xbuf, idxb, sem):
    w = lax.axis_index("c") * 16 + lax.axis_index("s")
    pltpu.sync_copy(drs_hbm.at[pl.ds(w * 4, 4)], idxb)
    for i in range(4):
        n0 = (w % 16) * 128 + i * 32
        pltpu.sync_copy(x_hbm.at[pl.ds(n0, 32)], xbuf)
        pltpu.async_copy(xbuf, xg_hbm.at[idxb.at[i]], sem).wait()


def _sc_scatter(x, drs):
    mesh = plsc.VectorSubcoreMesh(core_axis_name="c", subcore_axis_name="s")
    return pl.kernel(
        _sc_scatter_body,
        out_type=jax.ShapeDtypeStruct((PR, H), jnp.float32),
        mesh=mesh,
        scratch_types=[pltpu.VMEM((32, H), jnp.float32),
                       pltpu.VMEM((4, 32), jnp.int32),
                       pltpu.SemaphoreType.DMA],
    )(x, drs)


def _gemm1_body(bexp_ref, na_ref, xg_ref, wg_ref, wu_ref, act_ref):
    @pl.when(pl.program_id(0) < na_ref[0])
    def _():
        xb = xg_ref[...].astype(jnp.bfloat16)
        g = jnp.dot(xb, wg_ref[0].astype(jnp.bfloat16),
                    preferred_element_type=jnp.float32)
        u = jnp.dot(xb, wu_ref[0].astype(jnp.bfloat16),
                    preferred_element_type=jnp.float32)
        act_ref[...] = (g / (1.0 + jnp.exp(-g)) * u).astype(jnp.bfloat16)


def _gemm1(bexp, nact, xg, w1r):
    grid_spec = pltpu.PrefetchScalarGridSpec(
        num_scalar_prefetch=2,
        grid=(NBR,),
        in_specs=[
            pl.BlockSpec((TM, H), lambda nb, be, na: (jnp.minimum(nb, na[0]), 0)),
            pl.BlockSpec((1, H, I), lambda nb, be, na: (be[nb], 0, 0)),
            pl.BlockSpec((1, H, I), lambda nb, be, na: (be[nb], 0, 1)),
        ],
        out_specs=pl.BlockSpec(
            (TM, I), lambda nb, be, na: (jnp.minimum(nb, na[0]), 0)),
    )
    return pl.pallas_call(
        _gemm1_body,
        grid_spec=grid_spec,
        out_shape=jax.ShapeDtypeStruct((PR, I), jnp.bfloat16),
        compiler_params=pltpu.CompilerParams(
            dimension_semantics=("arbitrary",),
            vmem_limit_bytes=60 * 1024 * 1024),
    )(bexp, nact, xg, w1r, w1r)


def _gemm2_body(bexp_ref, na_ref, act_ref, w2_ref, y_ref):
    @pl.when(pl.program_id(0) < na_ref[0])
    def _():
        y_ref[...] = jnp.dot(act_ref[...], w2_ref[0].astype(jnp.bfloat16),
                             preferred_element_type=jnp.float32)


def _gemm2(bexp, nact, act_r, w2r):
    grid_spec = pltpu.PrefetchScalarGridSpec(
        num_scalar_prefetch=2,
        grid=(NBR,),
        in_specs=[
            pl.BlockSpec((TM, I), lambda nb, be, na: (jnp.minimum(nb, na[0]), 0)),
            pl.BlockSpec((1, I, H), lambda nb, be, na: (be[nb], 0, 0)),
        ],
        out_specs=pl.BlockSpec(
            (TM, H), lambda nb, be, na: (jnp.minimum(nb, na[0]), 0)),
    )
    return pl.pallas_call(
        _gemm2_body,
        grid_spec=grid_spec,
        out_shape=jax.ShapeDtypeStruct((PR, H), jnp.float32),
        compiler_params=pltpu.CompilerParams(
            dimension_semantics=("arbitrary",)),
    )(bexp, nact, act_r, w2r)


def _sc_gather_body(y_hbm, dg_hbm, yg0_hbm, yg1_hbm, rows, idxb, sem):
    w = lax.axis_index("c") * 16 + lax.axis_index("s")
    n0 = w * 64
    for k in range(2):
        out = yg0_hbm if k == 0 else yg1_hbm
        pltpu.sync_copy(dg_hbm.at[k * 32 + w], idxb)
        for i in range(2):
            pltpu.async_copy(y_hbm.at[idxb.at[pl.ds(i * 32, 32)]],
                             rows, sem).wait()
            pltpu.sync_copy(rows, out.at[pl.ds(n0 + i * 32, 32)])


def _sc_gather(y, dg):
    mesh = plsc.VectorSubcoreMesh(core_axis_name="c", subcore_axis_name="s")
    return pl.kernel(
        _sc_gather_body,
        out_type=[jax.ShapeDtypeStruct((N, H), jnp.float32),
                  jax.ShapeDtypeStruct((N, H), jnp.float32)],
        mesh=mesh,
        scratch_types=[pltpu.VMEM((32, H), jnp.float32),
                       pltpu.VMEM((64,), jnp.int32),
                       pltpu.SemaphoreType.DMA],
    )(y, dg)


def _sgemm1_body(x_ref, sw1_ref, sw2_ref, act_ref):
    xb = x_ref[...].astype(jnp.bfloat16)
    g = lax.dot_general(xb, sw1_ref[...].astype(jnp.bfloat16),
                        (((1,), (1,)), ((), ())),
                        preferred_element_type=jnp.float32)
    u = lax.dot_general(xb, sw2_ref[...].astype(jnp.bfloat16),
                        (((1,), (1,)), ((), ())),
                        preferred_element_type=jnp.float32)
    act_ref[...] = (g / (1.0 + jnp.exp(-g)) * u).astype(jnp.bfloat16)


def _sgemm1(x, sw1, sw2):
    return pl.pallas_call(
        _sgemm1_body,
        grid=(N // SM,),
        in_specs=[pl.BlockSpec((SM, H), lambda nb: (nb, 0)),
                  pl.BlockSpec((I, H), lambda nb: (0, 0)),
                  pl.BlockSpec((I, H), lambda nb: (0, 0))],
        out_specs=pl.BlockSpec((SM, I), lambda nb: (nb, 0)),
        out_shape=jax.ShapeDtypeStruct((N, I), jnp.bfloat16),
    )(x, sw1, sw2)


def _sgemm2_body(act_ref, sw3_ref, yg0_ref, yg1_ref, wts_ref, out_ref):
    s = lax.dot_general(act_ref[...], sw3_ref[...].astype(jnp.bfloat16),
                        (((1,), (1,)), ((), ())),
                        preferred_element_type=jnp.float32)
    w0 = wts_ref[:, 0:1]
    w1_ = wts_ref[:, 1:2]
    out_ref[...] = s + w0 * yg0_ref[...] + w1_ * yg1_ref[...]


def _sgemm2(act_s, sw3, yg0, yg1, wts):
    return pl.pallas_call(
        _sgemm2_body,
        grid=(N // SM,),
        in_specs=[pl.BlockSpec((SM, I), lambda nb: (nb, 0)),
                  pl.BlockSpec((H, I), lambda nb: (0, 0)),
                  pl.BlockSpec((SM, H), lambda nb: (nb, 0)),
                  pl.BlockSpec((SM, H), lambda nb: (nb, 0)),
                  pl.BlockSpec((SM, 8), lambda nb: (nb, 0))],
        out_specs=pl.BlockSpec((SM, H), lambda nb: (nb, 0)),
        out_shape=jax.ShapeDtypeStruct((N, H), jnp.float32),
    )(act_s, sw3, yg0, yg1, wts)


def kernel(hidden_states, gate_weight, w1, w2, sw1, sw2, sw3):
    x = hidden_states.reshape(N, H)
    wts, dests, bexp32 = _router(x, gate_weight)
    bexp = bexp32[:NBR, 0]
    nact = bexp32[0:1, 1]
    d0 = dests[:, 0]
    d1 = dests[:, 1]
    dflat = jnp.concatenate([d0, d1])
    drs = dflat.reshape(128, 32)
    dg = dflat.reshape(64, 64)
    act_s = _sgemm1(x, sw1, sw2)
    xg = _sc_scatter(x, drs)
    w1r = w1.reshape(E, H, 2 * I)
    act_r = _gemm1(bexp, nact, xg, w1r)
    w2r = w2.reshape(E, I, H)
    y = _gemm2(bexp, nact, act_r, w2r)
    yg0, yg1 = _sc_gather(y, dg)
    out = _sgemm2(act_s, sw3, yg0, yg1, wts)
    return out.reshape(1, N, H)

# --- scband reference (transcript-rebuilt; emitter-appended) ---
"""Pipeline reference for scband-deepseek-mo-e-82437602279914 (READ-ONLY COPY).

The authoritative reference and input builder live on the scoring server;
editing this copy changes nothing except your own understanding.
"""

import jax, jax.numpy as jnp
import numpy as np

B, S, H = 1, 2048, 2048
E, K, I = 8, 2, 1408

def setup_inputs(seed: int = 0) -> dict:
    key = jax.random.key(seed)
    ks = jax.random.split(key, 7)
    hidden_states = jax.random.normal(ks[0], (B, S, H), dtype=jnp.float32)
    gate_weight = jax.random.normal(ks[1], (E, H), dtype=jnp.float32) * 0.02
    w1 = jax.random.normal(ks[2], (E * H, 2 * I), dtype=jnp.float32) * 0.02
    w2 = jax.random.normal(ks[3], (E * I, H), dtype=jnp.float32) * 0.02
    sw1 = jax.random.normal(ks[4], (I, H), dtype=jnp.float32) * 0.02
    sw2 = jax.random.normal(ks[5], (I, H), dtype=jnp.float32) * 0.02
    sw3 = jax.random.normal(ks[6], (H, I), dtype=jnp.float32) * 0.02
    return {"hidden_states": hidden_states, "gate_weight": gate_weight,
            "w1": w1, "w2": w2, "sw1": sw1, "sw2": sw2, "sw3": sw3}

def reference(hidden_states, gate_weight, w1, w2, sw1, sw2, sw3):
    b, s, h = hidden_states.shape
    x = hidden_states.reshape(-1, h)
    # --- MoEGate ---
    logits = x.astype(jnp.float32) @ gate_weight.astype(jnp.float32).T
    scores = jax.nn.softmax(logits, axis=-1)
    topk_w, topk_i = jax.lax.top_k(scores, K)
    denom = jnp.sum(topk_w, axis=-1, keepdims=True) + 1e-20
    topk_w = topk_w / denom  # norm_topk_prob=True, top_k>1
    # --- FusedRoutedMLP (grouped-gemm dispatch == dense compute + one-hot combine) ---
    w1r = w1.reshape(E, h, 2 * I)
    w2r = w2.reshape(E, I, h)
    hmid = jnp.einsum('nh,ehf->enf', x, w1r)  # [E, N, 2I]
    g, u = jnp.split(hmid, 2, axis=-1)
    act = jax.nn.silu(g) * u
    expert_out = jnp.einsum('enf,efh->enh', act, w2r)  # [E, N, H]
    onehot = jax.nn.one_hot(topk_i, E, dtype=topk_w.dtype)  # [N, K, E]
    comb = jnp.einsum('nke,nk->en', onehot, topk_w)  # [E, N]
    moe_out = jnp.einsum('en,enh->nh', comb, expert_out)  # routed_scaling_factor = 1.0
    # --- shared expert (PointWiseFeedForward on residual) ---
    shared = (jax.nn.silu(x @ sw1.T) * (x @ sw2.T)) @ sw3.T
    out = (moe_out + shared).reshape(b, s, h)
    return out

if __name__ == "__main__":
    import jax
    _d = setup_inputs()
    print(jax.jit(kernel)(*tuple(_d.values())))

</pallas_src>

<mosaic_0001>
#map = affine_map<(d0, d1) -> (0, 0)>
module attributes {stable_mosaic.version = 14 : i64} {
  func.func @_sc_scatter_body(%arg0: i32, %arg1: i32, %arg2: memref<2048x2048xf32, #tpu.memory_space<hbm>>, %arg3: memref<128x32xi32, #tpu.memory_space<hbm>>, %arg4: memref<6144x2048xf32, #tpu.memory_space<hbm>>, %arg5: memref<32x2048xf32, #tpu.memory_space<vmem>>, %arg6: memref<4x32xi32, #tpu.memory_space<vmem>>, %arg7: memref<!tpu.dma_semaphore, #tpu.memory_space<semaphore_mem>>) attributes {dimension_semantics = [#tpu.dimension_semantics<core_parallel>, #tpu.dimension_semantics<subcore_parallel>], iteration_bounds = array<i64: 2, 16>, scalar_prefetch = 0 : i64, scratch_operands = 3 : i64, tpu.core_type = #tpu.core_type<sc_vector_subcore>, window_params = [{transform_indices = #map}, {transform_indices = #map}, {transform_indices = #map}]} {
    %mul3A = arith.constant 16 : i32
    %mul3A_0 = arith.muli %arg0, %mul3A : i32
    %add3A = arith.addi %mul3A_0, %arg1 : i32
    %mul3A_1 = arith.constant 4 : i32
    %mul3A_2 = arith.muli %add3A, %mul3A_1 : i32
    "tpu.region"() ({
      %run_scoped3A = tpu.sem_alloc : memref<!tpu.dma_semaphore, #tpu.memory_space<semaphore_mem>>
      %dma_start3A_130 = arith.constant 0 : i32
      %dma_start3A_131 = tpu.memref_slice %arg3[%mul3A_2, %dma_start3A_130] : memref<128x32xi32, #tpu.memory_space<hbm>> -> memref<4x32xi32, #tpu.memory_space<hbm>>
      %dma_start3A_132 = arith.constant 0 : i32
      %dma_start3A_133 = tpu.memref_slice %arg3[%mul3A_2, %dma_start3A_132] : memref<128x32xi32, #tpu.memory_space<hbm>> -> memref<4x32xi32, #tpu.memory_space<hbm>>
      tpu.enqueue_dma source(%dma_start3A_133 : memref<4x32xi32, #tpu.memory_space<hbm>>) target(%arg6 : memref<4x32xi32, #tpu.memory_space<vmem>>) target_semaphore(%run_scoped3A : memref<!tpu.dma_semaphore, #tpu.memory_space<semaphore_mem>>)
      %dma_wait3A_134 = arith.constant 0 : i32
      %dma_wait3A_135 = tpu.memref_slice %arg3[%mul3A_2, %dma_wait3A_134] : memref<128x32xi32, #tpu.memory_space<hbm>> -> memref<4x32xi32, #tpu.memory_space<hbm>>
      %dma_wait3A_136 = arith.constant 0 : i32
      %dma_wait3A_137 = tpu.memref_slice %arg3[%mul3A_2, %dma_wait3A_136] : memref<128x32xi32, #tpu.memory_space<hbm>> -> memref<4x32xi32, #tpu.memory_space<hbm>>
      tpu.wait_dma2 semaphore(%run_scoped3A : memref<!tpu.dma_semaphore, #tpu.memory_space<semaphore_mem>>) src(%dma_wait3A_137 : memref<4x32xi32, #tpu.memory_space<hbm>>) dst(%arg6 : memref<4x32xi32, #tpu.memory_space<vmem>>)
      tpu.yield
    }) : () -> ()
    %jit3A = arith.constant 16 : i32
    %eq3A = arith.constant 0 : i32
    %eq3A_3 = arith.cmpi eq, %jit3A, %eq3A : i32
    %jit3A_4 = arith.constant 1 : i32
    %select_n3A = arith.select %eq3A_3, %jit3A_4, %jit3A : i32
    %rem3A = arith.remsi %add3A, %select_n3A : i32
    %ne3A = arith.constant 0 : i32
    %ne3A_5 = arith.cmpi ne, %rem3A, %ne3A : i32
    %lt3A = arith.constant 0 : i32
    %lt3A_6 = arith.cmpi slt, %rem3A, %lt3A : i32
    %lt3A_7 = arith.constant 0 : i32
    %lt3A_8 = arith.cmpi slt, %select_n3A, %lt3A_7 : i32
    %ne3A_9 = arith.xori %lt3A_6, %lt3A_8 : i1
    %and3A = arith.andi %ne3A_9, %ne3A_5 : i1
    %add3A_10 = arith.addi %rem3A, %select_n3A : i32
    %select_n3A_11 = arith.select %and3A, %add3A_10, %rem3A : i32
    %mul3A_12 = arith.constant 128 : i32
    %mul3A_13 = arith.muli %select_n3A_11, %mul3A_12 : i32
    %add3A_14 = arith.constant 0 : i32
    %add3A_15 = arith.addi %mul3A_13, %add3A_14 : i32
    "tpu.region"() ({
      %run_scoped3A = tpu.sem_alloc : memref<!tpu.dma_semaphore, #tpu.memory_space<semaphore_mem>>
      %dma_start3A_130 = arith.constant 0 : i32
      %dma_start3A_131 = tpu.memref_slice %arg2[%add3A_15, %dma_start3A_130] : memref<2048x2048xf32, #tpu.memory_space<hbm>> -> memref<32x2048xf32, #tpu.memory_space<hbm>>
      %dma_start3A_132 = arith.constant 0 : i32
      %dma_start3A_133 = tpu.memref_slice %arg2[%add3A_15, %dma_start3A_132] : memref<2048x2048xf32, #tpu.memory_space<hbm>> -> memref<32x2048xf32, #tpu.memory_space<hbm>>
      tpu.enqueue_dma source(%dma_start3A_133 : memref<32x2048xf32, #tpu.memory_space<hbm>>) target(%arg5 : memref<32x2048xf32, #tpu.memory_space<vmem>>) target_semaphore(%run_scoped3A : memref<!tpu.dma_semaphore, #tpu.memory_space<semaphore_mem>>)
      %dma_wait3A_134 = arith.constant 0 : i32
      %dma_wait3A_135 = tpu.memref_slice %arg2[%add3A_15, %dma_wait3A_134] : memref<2048x2048xf32, #tpu.memory_space<hbm>> -> memref<32x2048xf32, #tpu.memory_space<hbm>>
      %dma_wait3A_136 = arith.constant 0 : i32
      %dma_wait3A_137 = tpu.memref_slice %arg2[%add3A_15, %dma_wait3A_136] : memref<2048x2048xf32, #tpu.memory_space<hbm>> -> memref<32x2048xf32, #tpu.memory_space<hbm>>
      tpu.wait_dma2 semaphore(%run_scoped3A : memref<!tpu.dma_semaphore, #tpu.memory_space<semaphore_mem>>) src(%dma_wait3A_137 : memref<32x2048xf32, #tpu.memory_space<hbm>>) dst(%arg5 : memref<32x2048xf32, #tpu.memory_space<vmem>>)
      tpu.yield
    }) : () -> ()
    %dma_start3A = arith.constant 0 : i32
    %dma_start3A_16 = arith.constant 0 : i32
    %dma_start3A_17 = tpu.memref_slice %arg6[%dma_start3A, %dma_start3A_16] : memref<4x32xi32, #tpu.memory_space<vmem>> -> memref<1x32xi32, #tpu.memory_space<vmem>>
    %dma_start3A_18 = tpu.memref_squeeze %dma_start3A_17 : memref<1x32xi32, #tpu.memory_space<vmem>> -> memref<32xi32, #tpu.memory_space<vmem>>
    %dma_start3A_19 = arith.constant 0 : i32
    %dma_start3A_20 = arith.constant 0 : i32
    %dma_start3A_21 = tpu.memref_slice %arg4[%dma_start3A_19, %dma_start3A_20] : memref<6144x2048xf32, #tpu.memory_space<hbm>> -> memref<6144x2048xf32, #tpu.memory_space<hbm>>
    tpu.enqueue_indirect_dma source(%arg5 : memref<32x2048xf32, #tpu.memory_space<vmem>>) target(%dma_start3A_21 : memref<6144x2048xf32, #tpu.memory_space<hbm>>) offsets(%dma_start3A_18 : memref<32xi32, #tpu.memory_space<vmem>>) semaphore(%arg7 : memref<!tpu.dma_semaphore, #tpu.memory_space<semaphore_mem>>)
    %dma_wait3A = arith.constant 0 : i32
    %dma_wait3A_22 = arith.constant 0 : i32
    %dma_wait3A_23 = tpu.memref_slice %arg6[%dma_wait3A, %dma_wait3A_22] : memref<4x32xi32, #tpu.memory_space<vmem>> -> memref<1x32xi32, #tpu.memory_space<vmem>>
    %dma_wait3A_24 = tpu.memref_squeeze %dma_wait3A_23 : memref<1x32xi32, #tpu.memory_space<vmem>> -> memref<32xi32, #tpu.memory_space<vmem>>
    %dma_wait3A_25 = arith.constant 0 : i32
    %dma_wait3A_26 = arith.constant 0 : i32
    %dma_wait3A_27 = tpu.memref_slice %arg4[%dma_wait3A_25, %dma_wait3A_26] : memref<6144x2048xf32, #tpu.memory_space<hbm>> -> memref<6144x2048xf32, #tpu.memory_space<hbm>>
    tpu.wait_indirect_dma semaphore(%arg7 : memref<!tpu.dma_semaphore, #tpu.memory_space<semaphore_mem>>) src(%arg5 : memref<32x2048xf32, #tpu.memory_space<vmem>>) dst(%dma_wait3A_27 : memref<6144x2048xf32, #tpu.memory_space<hbm>>)
    %jit3A_28 = arith.constant 16 : i32
    %eq3A_29 = arith.constant 0 : i32
    %eq3A_30 = arith.cmpi eq, %jit3A_28, %eq3A_29 : i32
    %jit3A_31 = arith.constant 1 : i32
    %select_n3A_32 = arith.select %eq3A_30, %jit3A_31, %jit3A_28 : i32
    %rem3A_33 = arith.remsi %add3A, %select_n3A_32 : i32
    %ne3A_34 = arith.constant 0 : i32
    %ne3A_35 = arith.cmpi ne, %rem3A_33, %ne3A_34 : i32
    %lt3A_36 = arith.constant 0 : i32
    %lt3A_37 = arith.cmpi slt, %rem3A_33, %lt3A_36 : i32
    %lt3A_38 = arith.constant 0 : i32
    %lt3A_39 = arith.cmpi slt, %select_n3A_32, %lt3A_38 : i32
    %ne3A_40 = arith.xori %lt3A_37, %lt3A_39 : i1
    %and3A_41 = arith.andi %ne3A_40, %ne3A_35 : i1
    %add3A_42 = arith.addi %rem3A_33, %select_n3A_32 : i32
    %select_n3A_43 = arith.select %and3A_41, %add3A_42, %rem3A_33 : i32
    %mul3A_44 = arith.constant 128 : i32
    %mul3A_45 = arith.muli %select_n3A_43, %mul3A_44 : i32
    %add3A_46 = arith.constant 32 : i32
    %add3A_47 = arith.addi %mul3A_45, %add3A_46 : i32
    "tpu.region"() ({
      %run_scoped3A = tpu.sem_alloc : memref<!tpu.dma_semaphore, #tpu.memory_space<semaphore_mem>>
      %dma_start3A_130 = arith.constant 0 : i32
      %dma_start3A_131 = tpu.memref_slice %arg2[%add3A_47, %dma_start3A_130] : memref<2048x2048xf32, #tpu.memory_space<hbm>> -> memref<32x2048xf32, #tpu.memory_space<hbm>>
      %dma_start3A_132 = arith.constant 0 : i32
      %dma_start3A_133 = tpu.memref_slice %arg2[%add3A_47, %dma_start3A_132] : memref<2048x2048xf32, #tpu.memory_space<hbm>> -> memref<32x2048xf32, #tpu.memory_space<hbm>>
      tpu.enqueue_dma source(%dma_start3A_133 : memref<32x2048xf32, #tpu.memory_space<hbm>>) target(%arg5 : memref<32x2048xf32, #tpu.memory_space<vmem>>) target_semaphore(%run_scoped3A : memref<!tpu.dma_semaphore, #tpu.memory_space<semaphore_mem>>)
      %dma_wait3A_134 = arith.constant 0 : i32
      %dma_wait3A_135 = tpu.memref_slice %arg2[%add3A_47, %dma_wait3A_134] : memref<2048x2048xf32, #tpu.memory_space<hbm>> -> memref<32x2048xf32, #tpu.memory_space<hbm>>
      %dma_wait3A_136 = arith.constant 0 : i32
      %dma_wait3A_137 = tpu.memref_slice %arg2[%add3A_47, %dma_wait3A_136] : memref<2048x2048xf32, #tpu.memory_space<hbm>> -> memref<32x2048xf32, #tpu.memory_space<hbm>>
      tpu.wait_dma2 semaphore(%run_scoped3A : memref<!tpu.dma_semaphore, #tpu.memory_space<semaphore_mem>>) src(%dma_wait3A_137 : memref<32x2048xf32, #tpu.memory_space<hbm>>) dst(%arg5 : memref<32x2048xf32, #tpu.memory_space<vmem>>)
      tpu.yield
    }) : () -> ()
    %dma_start3A_48 = arith.constant 1 : i32
    %dma_start3A_49 = arith.constant 0 : i32
    %dma_start3A_50 = tpu.memref_slice %arg6[%dma_start3A_48, %dma_start3A_49] : memref<4x32xi32, #tpu.memory_space<vmem>> -> memref<1x32xi32, #tpu.memory_space<vmem>>
    %dma_start3A_51 = tpu.memref_squeeze %dma_start3A_50 : memref<1x32xi32, #tpu.memory_space<vmem>> -> memref<32xi32, #tpu.memory_space<vmem>>
    %dma_start3A_52 = arith.constant 0 : i32
    %dma_start3A_53 = arith.constant 0 : i32
    %dma_start3A_54 = tpu.memref_slice %arg4[%dma_start3A_52, %dma_start3A_53] : memref<6144x2048xf32, #tpu.memory_space<hbm>> -> memref<6144x2048xf32, #tpu.memory_space<hbm>>
    tpu.enqueue_indirect_dma source(%arg5 : memref<32x2048xf32, #tpu.memory_space<vmem>>) target(%dma_start3A_54 : memref<6144x2048xf32, #tpu.memory_space<hbm>>) offsets(%dma_start3A_51 : memref<32xi32, #tpu.memory_space<vmem>>) semaphore(%arg7 : memref<!tpu.dma_semaphore, #tpu.memory_space<semaphore_mem>>)
    %dma_wait3A_55 = arith.constant 1 : i32
    %dma_wait3A_56 = arith.constant 0 : i32
    %dma_wait3A_57 = tpu.memref_slice %arg6[%dma_wait3A_55, %dma_wait3A_56] : memref<4x32xi32, #tpu.memory_space<vmem>> -> memref<1x32xi32, #tpu.memory_space<vmem>>
    %dma_wait3A_58 = tpu.memref_squeeze %dma_wait3A_57 : memref<1x32xi32, #tpu.memory_space<vmem>> -> memref<32xi32, #tpu.memory_space<vmem>>
    %dma_wait3A_59 = arith.constant 0 : i32
    %dma_wait3A_60 = arith.constant 0 : i32
    %dma_wait3A_61 = tpu.memref_slice %arg4[%dma_wait3A_59, %dma_wait3A_60] : memref<6144x2048xf32, #tpu.memory_space<hbm>> -> memref<6144x2048xf32, #tpu.memory_space<hbm>>
    tpu.wait_indirect_dma semaphore(%arg7 : memref<!tpu.dma_semaphore, #tpu.memory_space<semaphore_mem>>) src(%arg5 : memref<32x2048xf32, #tpu.memory_space<vmem>>) dst(%dma_wait3A_61 : memref<6144x2048xf32, #tpu.memory_space<hbm>>)
    %jit3A_62 = arith.constant 16 : i32
    %eq3A_63 = arith.constant 0 : i32
    %eq3A_64 = arith.cmpi eq, %jit3A_62, %eq3A_63 : i32
    %jit3A_65 = arith.constant 1 : i32
    %select_n3A_66 = arith.select %eq3A_64, %jit3A_65, %jit3A_62 : i32
    %rem3A_67 = arith.remsi %add3A, %select_n3A_66 : i32
    %ne3A_68 = arith.constant 0 : i32
    %ne3A_69 = arith.cmpi ne, %rem3A_67, %ne3A_68 : i32
    %lt3A_70 = arith.constant 0 : i32
    %lt3A_71 = arith.cmpi slt, %rem3A_67, %lt3A_70 : i32
    %lt3A_72 = arith.constant 0 : i32
    %lt3A_73 = arith.cmpi slt, %select_n3A_66, %lt3A_72 : i32
    %ne3A_74 = arith.xori %lt3A_71, %lt3A_73 : i1
    %and3A_75 = arith.andi %ne3A_74, %ne3A_69 : i1
    %add3A_76 = arith.addi %rem3A_67, %select_n3A_66 : i32
    %select_n3A_77 = arith.select %and3A_75, %add3A_76, %rem3A_67 : i32
    %mul3A_78 = arith.constant 128 : i32
    %mul3A_79 = arith.muli %select_n3A_77, %mul3A_78 : i32
    %add3A_80 = arith.constant 64 : i32
    %add3A_81 = arith.addi %mul3A_79, %add3A_80 : i32
    "tpu.region"() ({
      %run_scoped3A = tpu.sem_alloc : memref<!tpu.dma_semaphore, #tpu.memory_space<semaphore_mem>>
      %dma_start3A_130 = arith.constant 0 : i32
      %dma_start3A_131 = tpu.memref_slice %arg2[%add3A_81, %dma_start3A_130] : memref<2048x2048xf32, #tpu.memory_space<hbm>> -> memref<32x2048xf32, #tpu.memory_space<hbm>>
      %dma_start3A_132 = arith.constant 0 : i32
      %dma_start3A_133 = tpu.memref_slice %arg2[%add3A_81, %dma_start3A_132] : memref<2048x2048xf32, #tpu.memory_space<hbm>> -> memref<32x2048xf32, #tpu.memory_space<hbm>>
      tpu.enqueue_dma source(%dma_start3A_133 : memref<32x2048xf32, #tpu.memory_space<hbm>>) target(%arg5 : memref<32x2048xf32, #tpu.memory_space<vmem>>) target_semaphore(%run_scoped3A : memref<!tpu.dma_semaphore, #tpu.memory_space<semaphore_mem>>)
      %dma_wait3A_134 = arith.constant 0 : i32
      %dma_wait3A_135 = tpu.memref_slice %arg2[%add3A_81, %dma_wait3A_134] : memref<2048x2048xf32, #tpu.memory_space<hbm>> -> memref<32x2048xf32, #tpu.memory_space<hbm>>
      %dma_wait3A_136 = arith.constant 0 : i32
      %dma_wait3A_137 = tpu.memref_slice %arg2[%add3A_81, %dma_wait3A_136] : memref<2048x2048xf32, #tpu.memory_space<hbm>> -> memref<32x2048xf32, #tpu.memory_space<hbm>>
      tpu.wait_dma2 semaphore(%run_scoped3A : memref<!tpu.dma_semaphore, #tpu.memory_space<semaphore_mem>>) src(%dma_wait3A_137 : memref<32x2048xf32, #tpu.memory_space<hbm>>) dst(%arg5 : memref<32x2048xf32, #tpu.memory_space<vmem>>)
      tpu.yield
    }) : () -> ()
    %dma_start3A_82 = arith.constant 2 : i32
    %dma_start3A_83 = arith.constant 0 : i32
    %dma_start3A_84 = tpu.memref_slice %arg6[%dma_start3A_82, %dma_start3A_83] : memref<4x32xi32, #tpu.memory_space<vmem>> -> memref<1x32xi32, #tpu.memory_space<vmem>>
    %dma_start3A_85 = tpu.memref_squeeze %dma_start3A_84 : memref<1x32xi32, #tpu.memory_space<vmem>> -> memref<32xi32, #tpu.memory_space<vmem>>
    %dma_start3A_86 = arith.constant 0 : i32
    %dma_start3A_87 = arith.constant 0 : i32
    %dma_start3A_88 = tpu.memref_slice %arg4[%dma_start3A_86, %dma_start3A_87] : memref<6144x2048xf32, #tpu.memory_space<hbm>> -> memref<6144x2048xf32, #tpu.memory_space<hbm>>
    tpu.enqueue_indirect_dma source(%arg5 : memref<32x2048xf32, #tpu.memory_space<vmem>>) target(%dma_start3A_88 : memref<6144x2048xf32, #tpu.memory_space<hbm>>) offsets(%dma_start3A_85 : memref<32xi32, #tpu.memory_space<vmem>>) semaphore(%arg7 : memref<!tpu.dma_semaphore, #tpu.memory_space<semaphore_mem>>)
    %dma_wait3A_89 = arith.constant 2 : i32
    %dma_wait3A_90 = arith.constant 0 : i32
    %dma_wait3A_91 = tpu.memref_slice %arg6[%dma_wait3A_89, %dma_wait3A_90] : memref<4x32xi32, #tpu.memory_space<vmem>> -> memref<1x32xi32, #tpu.memory_space<vmem>>
    %dma_wait3A_92 = tpu.memref_squeeze %dma_wait3A_91 : memref<1x32xi32, #tpu.memory_space<vmem>> -> memref<32xi32, #tpu.memory_space<vmem>>
    %dma_wait3A_93 = arith.constant 0 : i32
    %dma_wait3A_94 = arith.constant 0 : i32
    %dma_wait3A_95 = tpu.memref_slice %arg4[%dma_wait3A_93, %dma_wait3A_94] : memref<6144x2048xf32, #tpu.memory_space<hbm>> -> memref<6144x2048xf32, #tpu.memory_space<hbm>>
    tpu.wait_indirect_dma semaphore(%arg7 : memref<!tpu.dma_semaphore, #tpu.memory_space<semaphore_mem>>) src(%arg5 : memref<32x2048xf32, #tpu.memory_space<vmem>>) dst(%dma_wait3A_95 : memref<6144x2048xf32, #tpu.memory_space<hbm>>)
    %jit3A_96 = arith.constant 16 : i32
    %eq3A_97 = arith.constant 0 : i32
    %eq3A_98 = arith.cmpi eq, %jit3A_96, %eq3A_97 : i32
    %jit3A_99 = arith.constant 1 : i32
    %select_n3A_100 = arith.select %eq3A_98, %jit3A_99, %jit3A_96 : i32
    %rem3A_101 = arith.remsi %add3A, %select_n3A_100 : i32
    %ne3A_102 = arith.constant 0 : i32
    %ne3A_103 = arith.cmpi ne, %rem3A_101, %ne3A_102 : i32
    %lt3A_104 = arith.constant 0 : i32
    %lt3A_105 = arith.cmpi slt, %rem3A_101, %lt3A_104 : i32
    %lt3A_106 = arith.constant 0 : i32
    %lt3A_107 = arith.cmpi slt, %select_n3A_100, %lt3A_106 : i32
    %ne3A_108 = arith.xori %lt3A_105, %lt3A_107 : i1
    %and3A_109 = arith.andi %ne3A_108, %ne3A_103 : i1
    %add3A_110 = arith.addi %rem3A_101, %select_n3A_100 : i32
    %select_n3A_111 = arith.select %and3A_109, %add3A_110, %rem3A_101 : i32
    %mul3A_112 = arith.constant 128 : i32
    %mul3A_113 = arith.muli %select_n3A_111, %mul3A_112 : i32
    %add3A_114 = arith.constant 96 : i32
    %add3A_115 = arith.addi %mul3A_113, %add3A_114 : i32
    "tpu.region"() ({
      %run_scoped3A = tpu.sem_alloc : memref<!tpu.dma_semaphore, #tpu.memory_space<semaphore_mem>>
      %dma_start3A_130 = arith.constant 0 : i32
      %dma_start3A_131 = tpu.memref_slice %arg2[%add3A_115, %dma_start3A_130] : memref<2048x2048xf32, #tpu.memory_space<hbm>> -> memref<32x2048xf32, #tpu.memory_space<hbm>>
      %dma_start3A_132 = arith.constant 0 : i32
      %dma_start3A_133 = tpu.memref_slice %arg2[%add3A_115, %dma_start3A_132] : memref<2048x2048xf32, #tpu.memory_space<hbm>> -> memref<32x2048xf32, #tpu.memory_space<hbm>>
      tpu.enqueue_dma source(%dma_start3A_133 : memref<32x2048xf32, #tpu.memory_space<hbm>>) target(%arg5 : memref<32x2048xf32, #tpu.memory_space<vmem>>) target_semaphore(%run_scoped3A : memref<!tpu.dma_semaphore, #tpu.memory_space<semaphore_mem>>)
      %dma_wait3A_134 = arith.constant 0 : i32
      %dma_wait3A_135 = tpu.memref_slice %arg2[%add3A_115, %dma_wait3A_134] : memref<2048x2048xf32, #tpu.memory_space<hbm>> -> memref<32x2048xf32, #tpu.memory_space<hbm>>
      %dma_wait3A_136 = arith.constant 0 : i32
      %dma_wait3A_137 = tpu.memref_slice %arg2[%add3A_115, %dma_wait3A_136] : memref<2048x2048xf32, #tpu.memory_space<hbm>> -> memref<32x2048xf32, #tpu.memory_space<hbm>>
      tpu.wait_dma2 semaphore(%run_scoped3A : memref<!tpu.dma_semaphore, #tpu.memory_space<semaphore_mem>>) src(%dma_wait3A_137 : memref<32x2048xf32, #tpu.memory_space<hbm>>) dst(%arg5 : memref<32x2048xf32, #tpu.memory_space<vmem>>)
      tpu.yield
    }) : () -> ()
    %dma_start3A_116 = arith.constant 3 : i32
    %dma_start3A_117 = arith.constant 0 : i32
    %dma_start3A_118 = tpu.memref_slice %arg6[%dma_start3A_116, %dma_start3A_117] : memref<4x32xi32, #tpu.memory_space<vmem>> -> memref<1x32xi32, #tpu.memory_space<vmem>>
    %dma_start3A_119 = tpu.memref_squeeze %dma_start3A_118 : memref<1x32xi32, #tpu.memory_space<vmem>> -> memref<32xi32, #tpu.memory_space<vmem>>
    %dma_start3A_120 = arith.constant 0 : i32
    %dma_start3A_121 = arith.constant 0 : i32
    %dma_start3A_122 = tpu.memref_slice %arg4[%dma_start3A_120, %dma_start3A_121] : memref<6144x2048xf32, #tpu.memory_space<hbm>> -> memref<6144x2048xf32, #tpu.memory_space<hbm>>
    tpu.enqueue_indirect_dma source(%arg5 : memref<32x2048xf32, #tpu.memory_space<vmem>>) target(%dma_start3A_122 : memref<6144x2048xf32, #tpu.memory_space<hbm>>) offsets(%dma_start3A_119 : memref<32xi32, #tpu.memory_space<vmem>>) semaphore(%arg7 : memref<!tpu.dma_semaphore, #tpu.memory_space<semaphore_mem>>)
    %dma_wait3A_123 = arith.constant 3 : i32
    %dma_wait3A_124 = arith.constant 0 : i32
    %dma_wait3A_125 = tpu.memref_slice %arg6[%dma_wait3A_123, %dma_wait3A_124] : memref<4x32xi32, #tpu.memory_space<vmem>> -> memref<1x32xi32, #tpu.memory_space<vmem>>
    %dma_wait3A_126 = tpu.memref_squeeze %dma_wait3A_125 : memref<1x32xi32, #tpu.memory_space<vmem>> -> memref<32xi32, #tpu.memory_space<vmem>>
    %dma_wait3A_127 = arith.constant 0 : i32
    %dma_wait3A_128 = arith.constant 0 : i32
    %dma_wait3A_129 = tpu.memref_slice %arg4[%dma_wait3A_127, %dma_wait3A_128] : memref<6144x2048xf32, #tpu.memory_space<hbm>> -> memref<6144x2048xf32, #tpu.memory_space<hbm>>
    tpu.wait_indirect_dma semaphore(%arg7 : memref<!tpu.dma_semaphore, #tpu.memory_space<semaphore_mem>>) src(%arg5 : memref<32x2048xf32, #tpu.memory_space<vmem>>) dst(%dma_wait3A_129 : memref<6144x2048xf32, #tpu.memory_space<hbm>>)
    return
  }
}

#map = affine_map<(d0, d1) -> (0, 0)>
module attributes {stable_mosaic.version = 14 : i64} {
  func.func @_sc_gather_body(%arg0: i32, %arg1: i32, %arg2: memref<6144x2048xf32, #tpu.memory_space<hbm>>, %arg3: memref<64x64xi32, #tpu.memory_space<hbm>>, %arg4: memref<2048x2048xf32, #tpu.memory_space<hbm>>, %arg5: memref<2048x2048xf32, #tpu.memory_space<hbm>>, %arg6: memref<32x2048xf32, #tpu.memory_space<vmem>>, %arg7: memref<64xi32, #tpu.memory_space<vmem>>, %arg8: memref<!tpu.dma_semaphore, #tpu.memory_space<semaphore_mem>>) attributes {dimension_semantics = [#tpu.dimension_semantics<core_parallel>, #tpu.dimension_semantics<subcore_parallel>], iteration_bounds = array<i64: 2, 16>, scalar_prefetch = 0 : i64, scratch_operands = 3 : i64, tpu.core_type = #tpu.core_type<sc_vector_subcore>, window_params = [{transform_indices = #map}, {transform_indices = #map}, {transform_indices = #map}, {transform_indices = #map}]} {
    %mul3A = arith.constant 16 : i32
    %mul3A_0 = arith.muli %arg0, %mul3A : i32
    %add3A = arith.addi %mul3A_0, %arg1 : i32
    %mul3A_1 = arith.constant 64 : i32
    %mul3A_2 = arith.muli %add3A, %mul3A_1 : i32
    %add3A_3 = arith.constant 0 : i32
    %add3A_4 = arith.addi %add3A_3, %add3A : i32
    "tpu.region"() ({
      %run_scoped3A = tpu.sem_alloc : memref<!tpu.dma_semaphore, #tpu.memory_space<semaphore_mem>>
      %dma_start3A_53 = arith.constant 0 : i32
      %dma_start3A_54 = tpu.memref_slice %arg3[%add3A_4, %dma_start3A_53] : memref<64x64xi32, #tpu.memory_space<hbm>> -> memref<1x64xi32, #tpu.memory_space<hbm>>
      %dma_start3A_55 = tpu.memref_squeeze %dma_start3A_54 : memref<1x64xi32, #tpu.memory_space<hbm>> -> memref<64xi32, #tpu.memory_space<hbm>>
      %dma_start3A_56 = arith.constant 0 : i32
      %dma_start3A_57 = tpu.memref_slice %arg3[%add3A_4, %dma_start3A_56] : memref<64x64xi32, #tpu.memory_space<hbm>> -> memref<1x64xi32, #tpu.memory_space<hbm>>
      %dma_start3A_58 = tpu.memref_squeeze %dma_start3A_57 : memref<1x64xi32, #tpu.memory_space<hbm>> -> memref<64xi32, #tpu.memory_space<hbm>>
      tpu.enqueue_dma source(%dma_start3A_58 : memref<64xi32, #tpu.memory_space<hbm>>) target(%arg7 : memref<64xi32, #tpu.memory_space<vmem>>) target_semaphore(%run_scoped3A : memref<!tpu.dma_semaphore, #tpu.memory_space<semaphore_mem>>)
      %dma_wait3A_59 = arith.constant 0 : i32
      %dma_wait3A_60 = tpu.memref_slice %arg3[%add3A_4, %dma_wait3A_59] : memref<64x64xi32, #tpu.memory_space<hbm>> -> memref<1x64xi32, #tpu.memory_space<hbm>>
      %dma_wait3A_61 = tpu.memref_squeeze %dma_wait3A_60 : memref<1x64xi32, #tpu.memory_space<hbm>> -> memref<64xi32, #tpu.memory_space<hbm>>
      %dma_wait3A_62 = arith.constant 0 : i32
      %dma_wait3A_63 = tpu.memref_slice %arg3[%add3A_4, %dma_wait3A_62] : memref<64x64xi32, #tpu.memory_space<hbm>> -> memref<1x64xi32, #tpu.memory_space<hbm>>
      %dma_wait3A_64 = tpu.memref_squeeze %dma_wait3A_63 : memref<1x64xi32, #tpu.memory_space<hbm>> -> memref<64xi32, #tpu.memory_space<hbm>>
      tpu.wait_dma2 semaphore(%run_scoped3A : memref<!tpu.dma_semaphore, #tpu.memory_space<semaphore_mem>>) src(%dma_wait3A_64 : memref<64xi32, #tpu.memory_space<hbm>>) dst(%arg7 : memref<64xi32, #tpu.memory_space<vmem>>)
      tpu.yield
    }) : () -> ()
    %dma_start3A = arith.constant 0 : i32
    %dma_start3A_5 = tpu.memref_slice %arg7[%dma_start3A] : memref<64xi32, #tpu.memory_space<vmem>> -> memref<32xi32, #tpu.memory_space<vmem>>
    %dma_start3A_6 = arith.constant 0 : i32
    %dma_start3A_7 = arith.constant 0 : i32
    %dma_start3A_8 = tpu.memref_slice %arg2[%dma_start3A_6, %dma_start3A_7] : memref<6144x2048xf32, #tpu.memory_space<hbm>> -> memref<6144x2048xf32, #tpu.memory_space<hbm>>
    tpu.enqueue_indirect_dma source(%dma_start3A_8 : memref<6144x2048xf32, #tpu.memory_space<hbm>>) target(%arg6 : memref<32x2048xf32, #tpu.memory_space<vmem>>) offsets(%dma_start3A_5 : memref<32xi32, #tpu.memory_space<vmem>>) semaphore(%arg8 : memref<!tpu.dma_semaphore, #tpu.memory_space<semaphore_mem>>)
    %dma_wait3A = arith.constant 0 : i32
    %dma_wait3A_9 = tpu.memref_slice %arg7[%dma_wait3A] : memref<64xi32, #tpu.memory_space<vmem>> -> memref<32xi32, #tpu.memory_space<vmem>>
    %dma_wait3A_10 = arith.constant 0 : i32
    %dma_wait3A_11 = arith.constant 0 : i32
    %dma_wait3A_12 = tpu.memref_slice %arg2[%dma_wait3A_10, %dma_wait3A_11] : memref<6144x2048xf32, #tpu.memory_space<hbm>> -> memref<6144x2048xf32, #tpu.memory_space<hbm>>
    tpu.wait_indirect_dma semaphore(%arg8 : memref<!tpu.dma_semaphore, #tpu.memory_space<semaphore_mem>>) src(%dma_wait3A_12 : memref<6144x2048xf32, #tpu.memory_space<hbm>>) dst(%arg6 : memref<32x2048xf32, #tpu.memory_space<vmem>>)
    %add3A_13 = arith.constant 0 : i32
    %add3A_14 = arith.addi %mul3A_2, %add3A_13 : i32
    "tpu.region"() ({
      %run_scoped3A = tpu.sem_alloc : memref<!tpu.dma_semaphore, #tpu.memory_space<semaphore_mem>>
      %dma_start3A_53 = arith.constant 0 : i32
      %dma_start3A_54 = tpu.memref_slice %arg4[%add3A_14, %dma_start3A_53] : memref<2048x2048xf32, #tpu.memory_space<hbm>> -> memref<32x2048xf32, #tpu.memory_space<hbm>>
      %dma_start3A_55 = arith.constant 0 : i32
      %dma_start3A_56 = tpu.memref_slice %arg4[%add3A_14, %dma_start3A_55] : memref<2048x2048xf32, #tpu.memory_space<hbm>> -> memref<32x2048xf32, #tpu.memory_space<hbm>>
      tpu.enqueue_dma source(%arg6 : memref<32x2048xf32, #tpu.memory_space<vmem>>) target(%dma_start3A_56 : memref<32x2048xf32, #tpu.memory_space<hbm>>) target_semaphore(%run_scoped3A : memref<!tpu.dma_semaphore, #tpu.memory_space<semaphore_mem>>)
      %dma_wait3A_57 = arith.constant 0 : i32
      %dma_wait3A_58 = tpu.memref_slice %arg4[%add3A_14, %dma_wait3A_57] : memref<2048x2048xf32, #tpu.memory_space<hbm>> -> memref<32x2048xf32, #tpu.memory_space<hbm>>
      %dma_wait3A_59 = arith.constant 0 : i32
      %dma_wait3A_60 = tpu.memref_slice %arg4[%add3A_14, %dma_wait3A_59] : memref<2048x2048xf32, #tpu.memory_space<hbm>> -> memref<32x2048xf32, #tpu.memory_space<hbm>>
      tpu.wait_dma2 semaphore(%run_scoped3A : memref<!tpu.dma_semaphore, #tpu.memory_space<semaphore_mem>>) src(%arg6 : memref<32x2048xf32, #tpu.memory_space<vmem>>) dst(%dma_wait3A_60 : memref<32x2048xf32, #tpu.memory_space<hbm>>)
      tpu.yield
    }) : () -> ()
    %dma_start3A_15 = arith.constant 32 : i32
    %dma_start3A_16 = tpu.memref_slice %arg7[%dma_start3A_15] : memref<64xi32, #tpu.memory_space<vmem>> -> memref<32xi32, #tpu.memory_space<vmem>>
    %dma_start3A_17 = arith.constant 0 : i32
    %dma_start3A_18 = arith.constant 0 : i32
    %dma_start3A_19 = tpu.memref_slice %arg2[%dma_start3A_17, %dma_start3A_18] : memref<6144x2048xf32, #tpu.memory_space<hbm>> -> memref<6144x2048xf32, #tpu.memory_space<hbm>>
    tpu.enqueue_indirect_dma source(%dma_start3A_19 : memref<6144x2048xf32, #tpu.memory_space<hbm>>) target(%arg6 : memref<32x2048xf32, #tpu.memory_space<vmem>>) offsets(%dma_start3A_16 : memref<32xi32, #tpu.memory_space<vmem>>) semaphore(%arg8 : memref<!tpu.dma_semaphore, #tpu.memory_space<semaphore_mem>>)
    %dma_wait3A_20 = arith.constant 32 : i32
    %dma_wait3A_21 = tpu.memref_slice %arg7[%dma_wait3A_20] : memref<64xi32, #tpu.memory_space<vmem>> -> memref<32xi32, #tpu.memory_space<vmem>>
    %dma_wait3A_22 = arith.constant 0 : i32
    %dma_wait3A_23 = arith.constant 0 : i32
    %dma_wait3A_24 = tpu.memref_slice %arg2[%dma_wait3A_22, %dma_wait3A_23] : memref<6144x2048xf32, #tpu.memory_space<hbm>> -> memref<6144x2048xf32, #tpu.memory_space<hbm>>
    tpu.wait_indirect_dma semaphore(%arg8 : memref<!tpu.dma_semaphore, #tpu.memory_space<semaphore_mem>>) src(%dma_wait3A_24 : memref<6144x2048xf32, #tpu.memory_space<hbm>>) dst(%arg6 : memref<32x2048xf32, #tpu.memory_space<vmem>>)
    %add3A_25 = arith.constant 32 : i32
    %add3A_26 = arith.addi %mul3A_2, %add3A_25 : i32
    "tpu.region"() ({
      %run_scoped3A = tpu.sem_alloc : memref<!tpu.dma_semaphore, #tpu.memory_space<semaphore_mem>>
      %dma_start3A_53 = arith.constant 0 : i32
      %dma_start3A_54 = tpu.memref_slice %arg4[%add3A_26, %dma_start3A_53] : memref<2048x2048xf32, #tpu.memory_space<hbm>> -> memref<32x2048xf32, #tpu.memory_space<hbm>>
      %dma_start3A_55 = arith.constant 0 : i32
      %dma_start3A_56 = tpu.memref_slice %arg4[%add3A_26, %dma_start3A_55] : memref<2048x2048xf32, #tpu.memory_space<hbm>> -> memref<32x2048xf32, #tpu.memory_space<hbm>>
      tpu.enqueue_dma source(%arg6 : memref<32x2048xf32, #tpu.memory_space<vmem>>) target(%dma_start3A_56 : memref<32x2048xf32, #tpu.memory_space<hbm>>) target_semaphore(%run_scoped3A : memref<!tpu.dma_semaphore, #tpu.memory_space<semaphore_mem>>)
      %dma_wait3A_57 = arith.constant 0 : i32
      %dma_wait3A_58 = tpu.memref_slice %arg4[%add3A_26, %dma_wait3A_57] : memref<2048x2048xf32, #tpu.memory_space<hbm>> -> memref<32x2048xf32, #tpu.memory_space<hbm>>
      %dma_wait3A_59 = arith.constant 0 : i32
      %dma_wait3A_60 = tpu.memref_slice %arg4[%add3A_26, %dma_wait3A_59] : memref<2048x2048xf32, #tpu.memory_space<hbm>> -> memref<32x2048xf32, #tpu.memory_space<hbm>>
      tpu.wait_dma2 semaphore(%run_scoped3A : memref<!tpu.dma_semaphore, #tpu.memory_space<semaphore_mem>>) src(%arg6 : memref<32x2048xf32, #tpu.memory_space<vmem>>) dst(%dma_wait3A_60 : memref<32x2048xf32, #tpu.memory_space<hbm>>)
      tpu.yield
    }) : () -> ()
    %add3A_27 = arith.constant 32 : i32
    %add3A_28 = arith.addi %add3A_27, %add3A : i32
    "tpu.region"() ({
      %run_scoped3A = tpu.sem_alloc : memref<!tpu.dma_semaphore, #tpu.memory_space<semaphore_mem>>
      %dma_start3A_53 = arith.constant 0 : i32
      %dma_start3A_54 = tpu.memref_slice %arg3[%add3A_28, %dma_start3A_53] : memref<64x64xi32, #tpu.memory_space<hbm>> -> memref<1x64xi32, #tpu.memory_space<hbm>>
      %dma_start3A_55 = tpu.memref_squeeze %dma_start3A_54 : memref<1x64xi32, #tpu.memory_space<hbm>> -> memref<64xi32, #tpu.memory_space<hbm>>
      %dma_start3A_56 = arith.constant 0 : i32
      %dma_start3A_57 = tpu.memref_slice %arg3[%add3A_28, %dma_start3A_56] : memref<64x64xi32, #tpu.memory_space<hbm>> -> memref<1x64xi32, #tpu.memory_space<hbm>>
      %dma_start3A_58 = tpu.memref_squeeze %dma_start3A_57 : memref<1x64xi32, #tpu.memory_space<hbm>> -> memref<64xi32, #tpu.memory_space<hbm>>
      tpu.enqueue_dma source(%dma_start3A_58 : memref<64xi32, #tpu.memory_space<hbm>>) target(%arg7 : memref<64xi32, #tpu.memory_space<vmem>>) target_semaphore(%run_scoped3A : memref<!tpu.dma_semaphore, #tpu.memory_space<semaphore_mem>>)
      %dma_wait3A_59 = arith.constant 0 : i32
      %dma_wait3A_60 = tpu.memref_slice %arg3[%add3A_28, %dma_wait3A_59] : memref<64x64xi32, #tpu.memory_space<hbm>> -> memref<1x64xi32, #tpu.memory_space<hbm>>
      %dma_wait3A_61 = tpu.memref_squeeze %dma_wait3A_60 : memref<1x64xi32, #tpu.memory_space<hbm>> -> memref<64xi32, #tpu.memory_space<hbm>>
      %dma_wait3A_62 = arith.constant 0 : i32
      %dma_wait3A_63 = tpu.memref_slice %arg3[%add3A_28, %dma_wait3A_62] : memref<64x64xi32, #tpu.memory_space<hbm>> -> memref<1x64xi32, #tpu.memory_space<hbm>>
      %dma_wait3A_64 = tpu.memref_squeeze %dma_wait3A_63 : memref<1x64xi32, #tpu.memory_space<hbm>> -> memref<64xi32, #tpu.memory_space<hbm>>
      tpu.wait_dma2 semaphore(%run_scoped3A : memref<!tpu.dma_semaphore, #tpu.memory_space<semaphore_mem>>) src(%dma_wait3A_64 : memref<64xi32, #tpu.memory_space<hbm>>) dst(%arg7 : memref<64xi32, #tpu.memory_space<vmem>>)
      tpu.yield
    }) : () -> ()
    %dma_start3A_29 = arith.constant 0 : i32
    %dma_start3A_30 = tpu.memref_slice %arg7[%dma_start3A_29] : memref<64xi32, #tpu.memory_space<vmem>> -> memref<32xi32, #tpu.memory_space<vmem>>
    %dma_start3A_31 = arith.constant 0 : i32
    %dma_start3A_32 = arith.constant 0 : i32
    %dma_start3A_33 = tpu.memref_slice %arg2[%dma_start3A_31, %dma_start3A_32] : memref<6144x2048xf32, #tpu.memory_space<hbm>> -> memref<6144x2048xf32, #tpu.memory_space<hbm>>
    tpu.enqueue_indirect_dma source(%dma_start3A_33 : memref<6144x2048xf32, #tpu.memory_space<hbm>>) target(%arg6 : memref<32x2048xf32, #tpu.memory_space<vmem>>) offsets(%dma_start3A_30 : memref<32xi32, #tpu.memory_space<vmem>>) semaphore(%arg8 : memref<!tpu.dma_semaphore, #tpu.memory_space<semaphore_mem>>)
    %dma_wait3A_34 = arith.constant 0 : i32
    %dma_wait3A_35 = tpu.memref_slice %arg7[%dma_wait3A_34] : memref<64xi32, #tpu.memory_space<vmem>> -> memref<32xi32, #tpu.memory_space<vmem>>
    %dma_wait3A_36 = arith.constant 0 : i32
    %dma_wait3A_37 = arith.constant 0 : i32
    %dma_wait3A_38 = tpu.memref_slice %arg2[%dma_wait3A_36, %dma_wait3A_37] : memref<6144x2048xf32, #tpu.memory_space<hbm>> -> memref<6144x2048xf32, #tpu.memory_space<hbm>>
    tpu.wait_indirect_dma semaphore(%arg8 : memref<!tpu.dma_semaphore, #tpu.memory_space<semaphore_mem>>) src(%dma_wait3A_38 : memref<6144x2048xf32, #tpu.memory_space<hbm>>) dst(%arg6 : memref<32x2048xf32, #tpu.memory_space<vmem>>)
    %add3A_39 = arith.constant 0 : i32
    %add3A_40 = arith.addi %mul3A_2, %add3A_39 : i32
    "tpu.region"() ({
      %run_scoped3A = tpu.sem_alloc : memref<!tpu.dma_semaphore, #tpu.memory_space<semaphore_mem>>
      %dma_start3A_53 = arith.constant 0 : i32
      %dma_start3A_54 = tpu.memref_slice %arg5[%add3A_40, %dma_start3A_53] : memref<2048x2048xf32, #tpu.memory_space<hbm>> -> memref<32x2048xf32, #tpu.memory_space<hbm>>
      %dma_start3A_55 = arith.constant 0 : i32
      %dma_start3A_56 = tpu.memref_slice %arg5[%add3A_40, %dma_start3A_55] : memref<2048x2048xf32, #tpu.memory_space<hbm>> -> memref<32x2048xf32, #tpu.memory_space<hbm>>
      tpu.enqueue_dma source(%arg6 : memref<32x2048xf32, #tpu.memory_space<vmem>>) target(%dma_start3A_56 : memref<32x2048xf32, #tpu.memory_space<hbm>>) target_semaphore(%run_scoped3A : memref<!tpu.dma_semaphore, #tpu.memory_space<semaphore_mem>>)
      %dma_wait3A_57 = arith.constant 0 : i32
      %dma_wait3A_58 = tpu.memref_slice %arg5[%add3A_40, %dma_wait3A_57] : memref<2048x2048xf32, #tpu.memory_space<hbm>> -> memref<32x2048xf32, #tpu.memory_space<hbm>>
      %dma_wait3A_59 = arith.constant 0 : i32
      %dma_wait3A_60 = tpu.memref_slice %arg5[%add3A_40, %dma_wait3A_59] : memref<2048x2048xf32, #tpu.memory_space<hbm>> -> memref<32x2048xf32, #tpu.memory_space<hbm>>
      tpu.wait_dma2 semaphore(%run_scoped3A : memref<!tpu.dma_semaphore, #tpu.memory_space<semaphore_mem>>) src(%arg6 : memref<32x2048xf32, #tpu.memory_space<vmem>>) dst(%dma_wait3A_60 : memref<32x2048xf32, #tpu.memory_space<hbm>>)
      tpu.yield
    }) : () -> ()
    %dma_start3A_41 = arith.constant 32 : i32
    %dma_start3A_42 = tpu.memref_slice %arg7[%dma_start3A_41] : memref<64xi32, #tpu.memory_space<vmem>> -> memref<32xi32, #tpu.memory_space<vmem>>
    %dma_start3A_43 = arith.constant 0 : i32
    %dma_start3A_44 = arith.constant 0 : i32
    %dma_start3A_45 = tpu.memref_slice %arg2[%dma_start3A_43, %dma_start3A_44] : memref<6144x2048xf32, #tpu.memory_space<hbm>> -> memref<6144x2048xf32, #tpu.memory_space<hbm>>
    tpu.enqueue_indirect_dma source(%dma_start3A_45 : memref<6144x2048xf32, #tpu.memory_space<hbm>>) target(%arg6 : memref<32x2048xf32, #tpu.memory_space<vmem>>) offsets(%dma_start3A_42 : memref<32xi32, #tpu.memory_space<vmem>>) semaphore(%arg8 : memref<!tpu.dma_semaphore, #tpu.memory_space<semaphore_mem>>)
    %dma_wait3A_46 = arith.constant 32 : i32
    %dma_wait3A_47 = tpu.memref_slice %arg7[%dma_wait3A_46] : memref<64xi32, #tpu.memory_space<vmem>> -> memref<32xi32, #tpu.memory_space<vmem>>
    %dma_wait3A_48 = arith.constant 0 : i32
    %dma_wait3A_49 = arith.constant 0 : i32
    %dma_wait3A_50 = tpu.memref_slice %arg2[%dma_wait3A_48, %dma_wait3A_49] : memref<6144x2048xf32, #tpu.memory_space<hbm>> -> memref<6144x2048xf32, #tpu.memory_space<hbm>>
    tpu.wait_indirect_dma semaphore(%arg8 : memref<!tpu.dma_semaphore, #tpu.memory_space<semaphore_mem>>) src(%dma_wait3A_50 : memref<6144x2048xf32, #tpu.memory_space<hbm>>) dst(%arg6 : memref<32x2048xf32, #tpu.memory_space<vmem>>)
    %add3A_51 = arith.constant 32 : i32
    %add3A_52 = arith.addi %mul3A_2, %add3A_51 : i32
    "tpu.region"() ({
      %run_scoped3A = tpu.sem_alloc : memref<!tpu.dma_semaphore, #tpu.memory_space<semaphore_mem>>
      %dma_start3A_53 = arith.constant 0 : i32
      %dma_start3A_54 = tpu.memref_slice %arg5[%add3A_52, %dma_start3A_53] : memref<2048x2048xf32, #tpu.memory_space<hbm>> -> memref<32x2048xf32, #tpu.memory_space<hbm>>
      %dma_start3A_55 = arith.constant 0 : i32
      %dma_start3A_56 = tpu.memref_slice %arg5[%add3A_52, %dma_start3A_55] : memref<2048x2048xf32, #tpu.memory_space<hbm>> -> memref<32x2048xf32, #tpu.memory_space<hbm>>
      tpu.enqueue_dma source(%arg6 : memref<32x2048xf32, #tpu.memory_space<vmem>>) target(%dma_start3A_56 : memref<32x2048xf32, #tpu.memory_space<hbm>>) target_semaphore(%run_scoped3A : memref<!tpu.dma_semaphore, #tpu.memory_space<semaphore_mem>>)
      %dma_wait3A_57 = arith.constant 0 : i32
      %dma_wait3A_58 = tpu.memref_slice %arg5[%add3A_52, %dma_wait3A_57] : memref<2048x2048xf32, #tpu.memory_space<hbm>> -> memref<32x2048xf32, #tpu.memory_space<hbm>>
      %dma_wait3A_59 = arith.constant 0 : i32
      %dma_wait3A_60 = tpu.memref_slice %arg5[%add3A_52, %dma_wait3A_59] : memref<2048x2048xf32, #tpu.memory_space<hbm>> -> memref<32x2048xf32, #tpu.memory_space<hbm>>
      tpu.wait_dma2 semaphore(%run_scoped3A : memref<!tpu.dma_semaphore, #tpu.memory_space<semaphore_mem>>) src(%arg6 : memref<32x2048xf32, #tpu.memory_space<vmem>>) dst(%dma_wait3A_60 : memref<32x2048xf32, #tpu.memory_space<hbm>>)
      tpu.yield
    }) : () -> ()
    return
  }
}

module attributes {stable_mosaic.version = 14 : i64} {
  func.func @_router_body(%arg0: i32, %arg1: memref<2048x2048xf32, #tpu.memory_space<vmem>>, %arg2: memref<8x2048xf32, #tpu.memory_space<vmem>>, %arg3: memref<2048x8xf32, #tpu.memory_space<vmem>>, %arg4: memref<2048x8xi32, #tpu.memory_space<vmem>>, %arg5: memref<24x8xi32, #tpu.memory_space<vmem>>) attributes {dimension_semantics = [#tpu.dimension_semantics<arbitrary>], iteration_bounds = array<i64: 1>, scalar_prefetch = 0 : i64, scratch_operands = 0 : i64, tpu.core_type = #tpu.core_type<tc>, window_params = [{pipeline_mode = #tpu.pipeline_mode<synchronous>, transform_indices = @transform_0, window_bounds = array<i64: 2048, 2048>}, {pipeline_mode = #tpu.pipeline_mode<synchronous>, transform_indices = @transform_1, window_bounds = array<i64: 8, 2048>}, {pipeline_mode = #tpu.pipeline_mode<synchronous>, transform_indices = @transform_2, window_bounds = array<i64: 2048, 8>}, {pipeline_mode = #tpu.pipeline_mode<synchronous>, transform_indices = @transform_3, window_bounds = array<i64: 2048, 8>}, {pipeline_mode = #tpu.pipeline_mode<synchronous>, transform_indices = @transform_4, window_bounds = array<i64: 24, 8>}]} {
    %get3A = arith.constant 0 : index
    %get3A_0 = arith.constant 0 : index
    %get3A_1 = vector.load %arg1[%get3A, %get3A_0] : memref<2048x2048xf32, #tpu.memory_space<vmem>>, vector<2048x2048xf32>
    %get3A_2 = arith.constant 0 : index
    %get3A_3 = arith.constant 0 : index
    %get3A_4 = vector.load %arg2[%get3A_2, %get3A_3] : memref<8x2048xf32, #tpu.memory_space<vmem>>, vector<8x2048xf32>
    %dot_general3A = arith.constant dense<0.000000e+00> : vector<2048x8xf32>
    %dot_general3A_5 = tpu.matmul %get3A_1, %get3A_4, %dot_general3A {dimension_numbers = #tpu.dot_dimension_numbers<[1], [1], [0], [0], [0, 0, 1, 0], [], []>, transpose_lhs_hint = false} : vector<2048x2048xf32>, vector<8x2048xf32>, vector<2048x8xf32> -> vector<2048x8xf32>
    %iota3A = tpu.iota {dimensions = array<i32: 1>} : vector<2048x8xi32>
    %reduce_max3A = arith.constant dense<0xFF800000> : vector<2048xf32>
    %reduce_max3A_6 = vector.multi_reduction <maximumf>, %dot_general3A_5, %reduce_max3A [1] : vector<2048x8xf32> to vector<2048xf32>
    %broadcast_in_dim3A = vector.shape_cast %reduce_max3A_6 : vector<2048xf32> to vector<2048x1xf32>
    %eq3A = vector.broadcast %broadcast_in_dim3A : vector<2048x1xf32> to vector<2048x8xf32>
    %eq3A_7 = arith.cmpf oeq, %dot_general3A_5, %eq3A : vector<2048x8xf32>
    %jit3A = arith.constant 8 : i32
    %broadcast_in_dim3A_8 = vector.broadcast %jit3A : i32 to vector<2048x8xi32>
    %select_n3A = arith.select %eq3A_7, %iota3A, %broadcast_in_dim3A_8 : vector<2048x8xi1>, vector<2048x8xi32>
    %reduce_min3A = arith.constant dense<2147483647> : vector<2048xi32>
    %reduce_min3A_9 = vector.multi_reduction <minsi>, %select_n3A, %reduce_min3A [1] : vector<2048x8xi32> to vector<2048xi32>
    %broadcast_in_dim3A_10 = vector.shape_cast %reduce_min3A_9 : vector<2048xi32> to vector<2048x1xi32>
    %eq3A_11 = vector.broadcast %broadcast_in_dim3A_10 : vector<2048x1xi32> to vector<2048x8xi32>
    %eq3A_12 = arith.cmpi eq, %iota3A, %eq3A_11 : vector<2048x8xi32>
    %jit3A_13 = arith.constant -1.000000e+30 : f32
    %broadcast_in_dim3A_14 = vector.broadcast %jit3A_13 : f32 to vector<2048x8xf32>
    %select_n3A_15 = arith.select %eq3A_12, %broadcast_in_dim3A_14, %dot_general3A_5 : vector<2048x8xi1>, vector<2048x8xf32>
    %reduce_max3A_16 = arith.constant dense<0xFF800000> : vector<2048xf32>
    %reduce_max3A_17 = vector.multi_reduction <maximumf>, %select_n3A_15, %reduce_max3A_16 [1] : vector<2048x8xf32> to vector<2048xf32>
    %broadcast_in_dim3A_18 = vector.shape_cast %reduce_max3A_17 : vector<2048xf32> to vector<2048x1xf32>
    %eq3A_19 = vector.broadcast %broadcast_in_dim3A_18 : vector<2048x1xf32> to vector<2048x8xf32>
    %eq3A_20 = arith.cmpf oeq, %select_n3A_15, %eq3A_19 : vector<2048x8xf32>
    %jit3A_21 = arith.constant 8 : i32
    %broadcast_in_dim3A_22 = vector.broadcast %jit3A_21 : i32 to vector<2048x8xi32>
    %select_n3A_23 = arith.select %eq3A_20, %iota3A, %broadcast_in_dim3A_22 : vector<2048x8xi1>, vector<2048x8xi32>
    %reduce_min3A_24 = arith.constant dense<2147483647> : vector<2048xi32>
    %reduce_min3A_25 = vector.multi_reduction <minsi>, %select_n3A_23, %reduce_min3A_24 [1] : vector<2048x8xi32> to vector<2048xi32>
    %broadcast_in_dim3A_26 = vector.shape_cast %reduce_min3A_25 : vector<2048xi32> to vector<2048x1xi32>
    %sub3A = arith.subf %broadcast_in_dim3A_18, %broadcast_in_dim3A : vector<2048x1xf32>
    %exp3A = math.exp %sub3A : vector<2048x1xf32>
    %add3A = arith.constant 1.000000e+00 : f32
    %add3A_27 = vector.broadcast %add3A : f32 to vector<2048x1xf32>
    %add3A_28 = arith.addf %add3A_27, %exp3A : vector<2048x1xf32>
    %div3A = arith.constant 1.000000e+00 : f32
    %div3A_29 = vector.broadcast %div3A : f32 to vector<2048x1xf32>
    %div3A_30 = arith.divf %div3A_29, %add3A_28 : vector<2048x1xf32>
    %sub3A_31 = arith.constant 1.000000e+00 : f32
    %sub3A_32 = vector.broadcast %sub3A_31 : f32 to vector<2048x1xf32>
    %sub3A_33 = arith.subf %sub3A_32, %div3A_30 : vector<2048x1xf32>
    %eq3A_34 = vector.broadcast %broadcast_in_dim3A_10 : vector<2048x1xi32> to vector<2048x8xi32>
    %eq3A_35 = arith.cmpi eq, %iota3A, %eq3A_34 : vector<2048x8xi32>
    %convert_element_type3A = arith.extui %eq3A_35 : vector<2048x8xi1> to vector<2048x8xi32>
    %convert_element_type3A_36 = arith.sitofp %convert_element_type3A : vector<2048x8xi32> to vector<2048x8xf32>
    %eq3A_37 = vector.broadcast %broadcast_in_dim3A_26 : vector<2048x1xi32> to vector<2048x8xi32>
    %eq3A_38 = arith.cmpi eq, %iota3A, %eq3A_37 : vector<2048x8xi32>
    %convert_element_type3A_39 = arith.extui %eq3A_38 : vector<2048x8xi1> to vector<2048x8xi32>
    %convert_element_type3A_40 = arith.sitofp %convert_element_type3A_39 : vector<2048x8xi32> to vector<2048x8xf32>
    %iota3A_41 = tpu.iota {dimensions = array<i32: 0>} : vector<2048x2048xi32>
    %iota3A_42 = tpu.iota {dimensions = array<i32: 1>} : vector<2048x2048xi32>
    %ge3A = arith.cmpi sge, %iota3A_41, %iota3A_42 : vector<2048x2048xi32>
    %convert_element_type3A_43 = arith.extui %ge3A : vector<2048x2048xi1> to vector<2048x2048xi32>
    %convert_element_type3A_44 = arith.sitofp %convert_element_type3A_43 : vector<2048x2048xi32> to vector<2048x2048xf32>
    %dot_general3A_45 = arith.constant dense<0.000000e+00> : vector<2048x8xf32>
    %dot_general3A_46 = tpu.matmul %convert_element_type3A_44, %convert_element_type3A_36, %dot_general3A_45 {dimension_numbers = #tpu.dot_dimension_numbers<[1], [0], [0], [1], [0, 0, 1, 1], [], []>, transpose_lhs_hint = false} : vector<2048x2048xf32>, vector<2048x8xf32>, vector<2048x8xf32> -> vector<2048x8xf32>
    %dot_general3A_47 = arith.constant dense<0.000000e+00> : vector<2048x8xf32>
    %dot_general3A_48 = tpu.matmul %convert_element_type3A_44, %convert_element_type3A_40, %dot_general3A_47 {dimension_numbers = #tpu.dot_dimension_numbers<[1], [0], [0], [1], [0, 0, 1, 1], [], []>, transpose_lhs_hint = false} : vector<2048x2048xf32>, vector<2048x8xf32>, vector<2048x8xf32> -> vector<2048x8xf32>
    %slice3A = vector.extract_strided_slice %dot_general3A_46 {offsets = [2047, 0], sizes = [1, 8], strides = [1, 1]} : vector<2048x8xf32> to vector<1x8xf32>
    %slice3A_49 = vector.extract_strided_slice %dot_general3A_48 {offsets = [2047, 0], sizes = [1, 8], strides = [1, 1]} : vector<2048x8xf32> to vector<1x8xf32>
    %add3A_50 = arith.addf %slice3A, %slice3A_49 : vector<1x8xf32>
    %div3A_51 = arith.constant 2.560000e+02 : f32
    %div3A_52 = vector.broadcast %div3A_51 : f32 to vector<1x8xf32>
    %div3A_53 = arith.divf %add3A_50, %div3A_52 : vector<1x8xf32>
    %ceil3A = math.ceil %div3A_53 : vector<1x8xf32>
    %mul3A = arith.constant 2.560000e+02 : f32
    %mul3A_54 = vector.broadcast %mul3A : f32 to vector<1x8xf32>
    %mul3A_55 = arith.mulf %ceil3A, %mul3A_54 : vector<1x8xf32>
    %iota3A_56 = tpu.iota {dimensions = array<i32: 0>} : vector<8x8xi32>
    %iota3A_57 = tpu.iota {dimensions = array<i32: 1>} : vector<8x8xi32>
    %lt3A = arith.cmpi slt, %iota3A_56, %iota3A_57 : vector<8x8xi32>
    %convert_element_type3A_58 = arith.extui %lt3A : vector<8x8xi1> to vector<8x8xi32>
    %convert_element_type3A_59 = arith.sitofp %convert_element_type3A_58 : vector<8x8xi32> to vector<8x8xf32>
    %dot_general3A_60 = arith.constant dense<0.000000e+00> : vector<1x8xf32>
    %dot_general3A_61 = tpu.matmul %mul3A_55, %convert_element_type3A_59, %dot_general3A_60 {dimension_numbers = #tpu.dot_dimension_numbers<[1], [0], [0], [1], [0, 0, 1, 1], [], []>, transpose_lhs_hint = false} : vector<1x8xf32>, vector<8x8xf32>, vector<1x8xf32> -> vector<1x8xf32>
    %add3A_62 = vector.broadcast %dot_general3A_61 : vector<1x8xf32> to vector<2048x8xf32>
    %add3A_63 = arith.addf %add3A_62, %dot_general3A_46 : vector<2048x8xf32>
    %sub3A_64 = arith.constant 1.000000e+00 : f32
    %sub3A_65 = vector.broadcast %sub3A_64 : f32 to vector<2048x8xf32>
    %sub3A_66 = arith.subf %add3A_63, %sub3A_65 : vector<2048x8xf32>
    %mul3A_67 = arith.mulf %convert_element_type3A_36, %sub3A_66 : vector<2048x8xf32>
    %reduce_sum3A = arith.constant dense<0.000000e+00> : vector<2048xf32>
    %reduce_sum3A_68 = vector.multi_reduction <add>, %mul3A_67, %reduce_sum3A [1] : vector<2048x8xf32> to vector<2048xf32>
    %broadcast_in_dim3A_69 = vector.shape_cast %reduce_sum3A_68 : vector<2048xf32> to vector<2048x1xf32>
    %add3A_70 = arith.addf %dot_general3A_61, %slice3A : vector<1x8xf32>
    %add3A_71 = vector.broadcast %add3A_70 : vector<1x8xf32> to vector<2048x8xf32>
    %add3A_72 = arith.addf %add3A_71, %dot_general3A_48 : vector<2048x8xf32>
    %sub3A_73 = arith.constant 1.000000e+00 : f32
    %sub3A_74 = vector.broadcast %sub3A_73 : f32 to vector<2048x8xf32>
    %sub3A_75 = arith.subf %add3A_72, %sub3A_74 : vector<2048x8xf32>
    %mul3A_76 = arith.mulf %convert_element_type3A_40, %sub3A_75 : vector<2048x8xf32>
    %reduce_sum3A_77 = arith.constant dense<0.000000e+00> : vector<2048xf32>
    %reduce_sum3A_78 = vector.multi_reduction <add>, %mul3A_76, %reduce_sum3A_77 [1] : vector<2048x8xf32> to vector<2048xf32>
    %broadcast_in_dim3A_79 = vector.shape_cast %reduce_sum3A_78 : vector<2048xf32> to vector<2048x1xf32>
    %convert_element_type3A_80 = arith.fptosi %broadcast_in_dim3A_69 : vector<2048x1xf32> to vector<2048x1xi32>
    %convert_element_type3A_81 = arith.fptosi %broadcast_in_dim3A_79 : vector<2048x1xf32> to vector<2048x1xi32>
    %broadcast_in_dim3A_82 = arith.constant 0 : i32
    %broadcast_in_dim3A_83 = vector.broadcast %broadcast_in_dim3A_82 : i32 to vector<2048x6xi32>
    %concatenate3A = tpu.concatenate %convert_element_type3A_80, %convert_element_type3A_81, %broadcast_in_dim3A_83 in 1 : vector<2048x1xi32>, vector<2048x1xi32>, vector<2048x6xi32> -> vector<2048x8xi32>
    %swap3A = arith.constant 0 : index
    %swap3A_84 = arith.constant 0 : index
    %swap3A_85 = vector.load %arg4[%swap3A, %swap3A_84] : memref<2048x8xi32, #tpu.memory_space<vmem>>, vector<2048x8xi32>
    tpu.vector_store %arg4[%swap3A, %swap3A_84], %concatenate3A {strides = array<i32>} : memref<2048x8xi32, #tpu.memory_space<vmem>>, vector<2048x8xi32>,
    %broadcast_in_dim3A_86 = arith.constant 0.000000e+00 : f32
    %broadcast_in_dim3A_87 = vector.broadcast %broadcast_in_dim3A_86 : f32 to vector<2048x6xf32>
    %concatenate3A_88 = tpu.concatenate %div3A_30, %sub3A_33, %broadcast_in_dim3A_87 in 1 : vector<2048x1xf32>, vector<2048x1xf32>, vector<2048x6xf32> -> vector<2048x8xf32>
    %swap3A_89 = arith.constant 0 : index
    %swap3A_90 = arith.constant 0 : index
    %swap3A_91 = vector.load %arg3[%swap3A_89, %swap3A_90] : memref<2048x8xf32, #tpu.memory_space<vmem>>, vector<2048x8xf32>
    tpu.vector_store %arg3[%swap3A_89, %swap3A_90], %concatenate3A_88 {strides = array<i32>} : memref<2048x8xf32, #tpu.memory_space<vmem>>, vector<2048x8xf32>,
    %add3A_92 = arith.addf %dot_general3A_61, %mul3A_55 : vector<1x8xf32>
    %iota3A_93 = tpu.iota {dimensions = array<i32: 0>} : vector<24x1xi32>
    %convert_element_type3A_94 = arith.sitofp %iota3A_93 : vector<24x1xi32> to vector<24x1xf32>
    %mul3A_95 = arith.constant 2.560000e+02 : f32
    %mul3A_96 = vector.broadcast %mul3A_95 : f32 to vector<24x1xf32>
    %mul3A_97 = arith.mulf %convert_element_type3A_94, %mul3A_96 : vector<24x1xf32>
    %ge3A_98 = vector.broadcast %mul3A_97 : vector<24x1xf32> to vector<24x8xf32>
    %ge3A_99 = vector.broadcast %add3A_92 : vector<1x8xf32> to vector<24x8xf32>
    %ge3A_100 = arith.cmpf oge, %ge3A_98, %ge3A_99 : vector<24x8xf32>
    %convert_element_type3A_101 = arith.extui %ge3A_100 : vector<24x8xi1> to vector<24x8xi32>
    %convert_element_type3A_102 = arith.sitofp %convert_element_type3A_101 : vector<24x8xi32> to vector<24x8xf32>
    %reduce_sum3A_103 = arith.constant dense<0.000000e+00> : vector<24xf32>
    %reduce_sum3A_104 = vector.multi_reduction <add>, %convert_element_type3A_102, %reduce_sum3A_103 [1] : vector<24x8xf32> to vector<24xf32>
    %broadcast_in_dim3A_105 = vector.shape_cast %reduce_sum3A_104 : vector<24xf32> to vector<24x1xf32>
    %min3A = arith.constant 7.000000e+00 : f32
    %min3A_106 = vector.broadcast %min3A : f32 to vector<24x1xf32>
    %min3A_107 = arith.minimumf %broadcast_in_dim3A_105, %min3A_106 : vector<24x1xf32>
    %reduce_sum3A_108 = arith.constant dense<0.000000e+00> : vector<1xf32>
    %reduce_sum3A_109 = vector.multi_reduction <add>, %mul3A_55, %reduce_sum3A_108 [1] : vector<1x8xf32> to vector<1xf32>
    %broadcast_in_dim3A_110 = vector.shape_cast %reduce_sum3A_109 : vector<1xf32> to vector<1x1xf32>
    %div3A_111 = arith.constant 2.560000e+02 : f32
    %div3A_112 = vector.broadcast %div3A_111 : f32 to vector<1x1xf32>
    %div3A_113 = arith.divf %broadcast_in_dim3A_110, %div3A_112 : vector<1x1xf32>
    %convert_element_type3A_114 = arith.fptosi %min3A_107 : vector<24x1xf32> to vector<24x1xi32>
    %convert_element_type3A_115 = arith.fptosi %div3A_113 : vector<1x1xf32> to vector<1x1xi32>
    %broadcast_in_dim3A_116 = vector.shape_cast %convert_element_type3A_115 : vector<1x1xi32> to vector<1x1xi32>
    %broadcast_in_dim3A_117 = vector.broadcast %broadcast_in_dim3A_116 : vector<1x1xi32> to vector<24x1xi32>
    %broadcast_in_dim3A_118 = arith.constant 0 : i32
    %broadcast_in_dim3A_119 = vector.broadcast %broadcast_in_dim3A_118 : i32 to vector<24x6xi32>
    %concatenate3A_120 = tpu.concatenate %convert_element_type3A_114, %broadcast_in_dim3A_117, %broadcast_in_dim3A_119 in 1 : vector<24x1xi32>, vector<24x1xi32>, vector<24x6xi32> -> vector<24x8xi32>
    %swap3A_121 = arith.constant 0 : index
    %swap3A_122 = arith.constant 0 : index
    %swap3A_123 = vector.load %arg5[%swap3A_121, %swap3A_122] : memref<24x8xi32, #tpu.memory_space<vmem>>, vector<24x8xi32>
    tpu.vector_store %arg5[%swap3A_121, %swap3A_122], %concatenate3A_120 {strides = array<i32>} : memref<24x8xi32, #tpu.memory_space<vmem>>, vector<24x8xi32>,
    return
  }
  func.func @transform_0(%arg0: i32) -> (i32, i32) {
    %c0_i32 = arith.constant 0 : i32
    %c0_i32_0 = arith.constant 0 : i32
    %c0_i32_1 = arith.constant 0 : i32
    return %c0_i32, %c0_i32_0 : i32, i32
  }
  func.func @transform_1(%arg0: i32) -> (i32, i32) {
    %c0_i32 = arith.constant 0 : i32
    %c0_i32_0 = arith.constant 0 : i32
    %c0_i32_1 = arith.constant 0 : i32
    return %c0_i32, %c0_i32_0 : i32, i32
  }
  func.func @transform_2(%arg0: i32) -> (i32, i32) {
    %c0_i32 = arith.constant 0 : i32
    %c0_i32_0 = arith.constant 0 : i32
    %c0_i32_1 = arith.constant 0 : i32
    return %c0_i32, %c0_i32_0 : i32, i32
  }
  func.func @transform_3(%arg0: i32) -> (i32, i32) {
    %c0_i32 = arith.constant 0 : i32
    %c0_i32_0 = arith.constant 0 : i32
    %c0_i32_1 = arith.constant 0 : i32
    return %c0_i32, %c0_i32_0 : i32, i32
  }
  func.func @transform_4(%arg0: i32) -> (i32, i32) {
    %c0_i32 = arith.constant 0 : i32
    %c0_i32_0 = arith.constant 0 : i32
    %c0_i32_1 = arith.constant 0 : i32
    return %c0_i32, %c0_i32_0 : i32, i32
  }
}

module attributes {stable_mosaic.version = 14 : i64} {
  func.func @_gemm1_body(%arg0: i32, %arg1: memref<24xi32, #tpu.memory_space<smem>>, %arg2: memref<1xi32, #tpu.memory_space<smem>>, %arg3: memref<256x2048xf32, #tpu.memory_space<vmem>>, %arg4: memref<1x2048x1408xf32, #tpu.memory_space<vmem>>, %arg5: memref<1x2048x1408xf32, #tpu.memory_space<vmem>>, %arg6: memref<256x1408xbf16, #tpu.memory_space<vmem>>) attributes {dimension_semantics = [#tpu.dimension_semantics<arbitrary>], iteration_bounds = array<i64: 24>, scalar_prefetch = 2 : i64, scratch_operands = 0 : i64, tpu.core_type = #tpu.core_type<tc>, window_params = [{transform_indices = @transform_0, window_bounds = array<i64: 256, 2048>}, {transform_indices = @transform_1, window_bounds = array<i64: 1, 2048, 1408>}, {transform_indices = @transform_2, window_bounds = array<i64: 1, 2048, 1408>}, {transform_indices = @transform_3, window_bounds = array<i64: 256, 1408>}]} {
    %get3A = arith.constant 0 : index
    %get3A_0 = memref.load %arg2[%get3A] : memref<1xi32, #tpu.memory_space<smem>>
    %lt3A = arith.cmpi slt, %arg0, %get3A_0 : i32
    %convert_element_type3A = arith.extui %lt3A : i1 to i32
    %cond3A = arith.constant 0 : i32
    %cond3A_1 = arith.cmpi ne, %convert_element_type3A, %cond3A : i32
    scf.if %cond3A_1 {
      %get3A_2 = arith.constant 0 : index
      %get3A_3 = arith.constant 0 : index
      %get3A_4 = vector.load %arg3[%get3A_2, %get3A_3] : memref<256x2048xf32, #tpu.memory_space<vmem>>, vector<256x2048xf32>
      %convert_element_type3A_5 = arith.truncf %get3A_4 : vector<256x2048xf32> to vector<256x2048xbf16>
      %get3A_6 = arith.constant 0 : index
      %get3A_7 = arith.constant 0 : index
      %get3A_8 = arith.constant 0 : index
      %get3A_9 = vector.load %arg4[%get3A_6, %get3A_7, %get3A_8] : memref<1x2048x1408xf32, #tpu.memory_space<vmem>>, vector<1x2048x1408xf32>
      %get3A_10 = vector.shape_cast %get3A_9 : vector<1x2048x1408xf32> to vector<2048x1408xf32>
      %convert_element_type3A_11 = arith.truncf %get3A_10 : vector<2048x1408xf32> to vector<2048x1408xbf16>
      %dot_general3A = arith.constant dense<0.000000e+00> : vector<256x1408xf32>
      %dot_general3A_12 = tpu.matmul %convert_element_type3A_5, %convert_element_type3A_11, %dot_general3A {dimension_numbers = #tpu.dot_dimension_numbers<[1], [0], [0], [1], [0, 0, 1, 1], [], []>, transpose_lhs_hint = false} : vector<256x2048xbf16>, vector<2048x1408xbf16>, vector<256x1408xf32> -> vector<256x1408xf32>
      %get3A_13 = arith.constant 0 : index
      %get3A_14 = arith.constant 0 : index
      %get3A_15 = arith.constant 0 : index
      %get3A_16 = vector.load %arg5[%get3A_13, %get3A_14, %get3A_15] : memref<1x2048x1408xf32, #tpu.memory_space<vmem>>, vector<1x2048x1408xf32>
      %get3A_17 = vector.shape_cast %get3A_16 : vector<1x2048x1408xf32> to vector<2048x1408xf32>
      %convert_element_type3A_18 = arith.truncf %get3A_17 : vector<2048x1408xf32> to vector<2048x1408xbf16>
      %dot_general3A_19 = arith.constant dense<0.000000e+00> : vector<256x1408xf32>
      %dot_general3A_20 = tpu.matmul %convert_element_type3A_5, %convert_element_type3A_18, %dot_general3A_19 {dimension_numbers = #tpu.dot_dimension_numbers<[1], [0], [0], [1], [0, 0, 1, 1], [], []>, transpose_lhs_hint = false} : vector<256x2048xbf16>, vector<2048x1408xbf16>, vector<256x1408xf32> -> vector<256x1408xf32>
      %neg3A = arith.constant 0.000000e+00 : f32
      %neg3A_21 = vector.broadcast %neg3A : f32 to vector<256x1408xf32>
      %neg3A_22 = arith.subf %neg3A_21, %dot_general3A_12 : vector<256x1408xf32>
      %exp3A = math.exp %neg3A_22 : vector<256x1408xf32>
      %add3A = arith.constant 1.000000e+00 : f32
      %add3A_23 = vector.broadcast %add3A : f32 to vector<256x1408xf32>
      %add3A_24 = arith.addf %add3A_23, %exp3A : vector<256x1408xf32>
      %div3A = arith.divf %dot_general3A_12, %add3A_24 : vector<256x1408xf32>
      %mul3A = arith.mulf %div3A, %dot_general3A_20 : vector<256x1408xf32>
      %convert_element_type3A_25 = arith.truncf %mul3A : vector<256x1408xf32> to vector<256x1408xbf16>
      %swap3A = arith.constant 0 : index
      %swap3A_26 = arith.constant 0 : index
      %swap3A_27 = vector.load %arg6[%swap3A, %swap3A_26] : memref<256x1408xbf16, #tpu.memory_space<vmem>>, vector<256x1408xbf16>
      tpu.vector_store %arg6[%swap3A, %swap3A_26], %convert_element_type3A_25 {strides = array<i32>} : memref<256x1408xbf16, #tpu.memory_space<vmem>>, vector<256x1408xbf16>,
    } else {
    }
    return
  }
  func.func @transform_0(%arg0: i32, %arg1: memref<24xi32, #tpu.memory_space<smem>>, %arg2: memref<1xi32, #tpu.memory_space<smem>>) -> (i32, i32) {
    %get3A = arith.constant 0 : index
    %get3A_0 = memref.load %arg2[%get3A] : memref<1xi32, #tpu.memory_space<smem>>
    %min3A = arith.minsi %arg0, %get3A_0 : i32
    %c0_i32 = arith.constant 0 : i32
    %c0_i32_1 = arith.constant 0 : i32
    return %min3A, %c0_i32 : i32, i32
  }
  func.func @transform_1(%arg0: i32, %arg1: memref<24xi32, #tpu.memory_space<smem>>, %arg2: memref<1xi32, #tpu.memory_space<smem>>) -> (i32, i32, i32) {
    %get3A = arith.index_cast %arg0 : i32 to index
    %get3A_0 = memref.load %arg1[%get3A] : memref<24xi32, #tpu.memory_space<smem>>
    %c0_i32 = arith.constant 0 : i32
    %c0_i32_1 = arith.constant 0 : i32
    %c0_i32_2 = arith.constant 0 : i32
    return %get3A_0, %c0_i32, %c0_i32_1 : i32, i32, i32
  }
  func.func @transform_2(%arg0: i32, %arg1: memref<24xi32, #tpu.memory_space<smem>>, %arg2: memref<1xi32, #tpu.memory_space<smem>>) -> (i32, i32, i32) {
    %get3A = arith.index_cast %arg0 : i32 to index
    %get3A_0 = memref.load %arg1[%get3A] : memref<24xi32, #tpu.memory_space<smem>>
    %c0_i32 = arith.constant 0 : i32
    %c1_i32 = arith.constant 1 : i32
    %c0_i32_1 = arith.constant 0 : i32
    return %get3A_0, %c0_i32, %c1_i32 : i32, i32, i32
  }
  func.func @transform_3(%arg0: i32, %arg1: memref<24xi32, #tpu.memory_space<smem>>, %arg2: memref<1xi32, #tpu.memory_space<smem>>) -> (i32, i32) {
    %get3A = arith.constant 0 : index
    %get3A_0 = memref.load %arg2[%get3A] : memref<1xi32, #tpu.memory_space<smem>>
    %min3A = arith.minsi %arg0, %get3A_0 : i32
    %c0_i32 = arith.constant 0 : i32
    %c0_i32_1 = arith.constant 0 : i32
    return %min3A, %c0_i32 : i32, i32
  }
}

module attributes {stable_mosaic.version = 14 : i64} {
  func.func @_gemm2_body(%arg0: i32, %arg1: memref<24xi32, #tpu.memory_space<smem>>, %arg2: memref<1xi32, #tpu.memory_space<smem>>, %arg3: memref<256x1408xbf16, #tpu.memory_space<vmem>>, %arg4: memref<1x1408x2048xf32, #tpu.memory_space<vmem>>, %arg5: memref<256x2048xf32, #tpu.memory_space<vmem>>) attributes {dimension_semantics = [#tpu.dimension_semantics<arbitrary>], iteration_bounds = array<i64: 24>, scalar_prefetch = 2 : i64, scratch_operands = 0 : i64, tpu.core_type = #tpu.core_type<tc>, window_params = [{transform_indices = @transform_0, window_bounds = array<i64: 256, 1408>}, {transform_indices = @transform_1, window_bounds = array<i64: 1, 1408, 2048>}, {transform_indices = @transform_2, window_bounds = array<i64: 256, 2048>}]} {
    %get3A = arith.constant 0 : index
    %get3A_0 = memref.load %arg2[%get3A] : memref<1xi32, #tpu.memory_space<smem>>
    %lt3A = arith.cmpi slt, %arg0, %get3A_0 : i32
    %convert_element_type3A = arith.extui %lt3A : i1 to i32
    %cond3A = arith.constant 0 : i32
    %cond3A_1 = arith.cmpi ne, %convert_element_type3A, %cond3A : i32
    scf.if %cond3A_1 {
      %get3A_2 = arith.constant 0 : index
      %get3A_3 = arith.constant 0 : index
      %get3A_4 = vector.load %arg3[%get3A_2, %get3A_3] : memref<256x1408xbf16, #tpu.memory_space<vmem>>, vector<256x1408xbf16>
      %get3A_5 = arith.constant 0 : index
      %get3A_6 = arith.constant 0 : index
      %get3A_7 = arith.constant 0 : index
      %get3A_8 = vector.load %arg4[%get3A_5, %get3A_6, %get3A_7] : memref<1x1408x2048xf32, #tpu.memory_space<vmem>>, vector<1x1408x2048xf32>
      %get3A_9 = vector.shape_cast %get3A_8 : vector<1x1408x2048xf32> to vector<1408x2048xf32>
      %convert_element_type3A_10 = arith.truncf %get3A_9 : vector<1408x2048xf32> to vector<1408x2048xbf16>
      %dot_general3A = arith.constant dense<0.000000e+00> : vector<256x2048xf32>
      %dot_general3A_11 = tpu.matmul %get3A_4, %convert_element_type3A_10, %dot_general3A {dimension_numbers = #tpu.dot_dimension_numbers<[1], [0], [0], [1], [0, 0, 1, 1], [], []>, transpose_lhs_hint = false} : vector<256x1408xbf16>, vector<1408x2048xbf16>, vector<256x2048xf32> -> vector<256x2048xf32>
      %swap3A = arith.constant 0 : index
      %swap3A_12 = arith.constant 0 : index
      %swap3A_13 = vector.load %arg5[%swap3A, %swap3A_12] : memref<256x2048xf32, #tpu.memory_space<vmem>>, vector<256x2048xf32>
      tpu.vector_store %arg5[%swap3A, %swap3A_12], %dot_general3A_11 {strides = array<i32>} : memref<256x2048xf32, #tpu.memory_space<vmem>>, vector<256x2048xf32>,
    } else {
    }
    return
  }
  func.func @transform_0(%arg0: i32, %arg1: memref<24xi32, #tpu.memory_space<smem>>, %arg2: memref<1xi32, #tpu.memory_space<smem>>) -> (i32, i32) {
    %get3A = arith.constant 0 : index
    %get3A_0 = memref.load %arg2[%get3A] : memref<1xi32, #tpu.memory_space<smem>>
    %min3A = arith.minsi %arg0, %get3A_0 : i32
    %c0_i32 = arith.constant 0 : i32
    %c0_i32_1 = arith.constant 0 : i32
    return %min3A, %c0_i32 : i32, i32
  }
  func.func @transform_1(%arg0: i32, %arg1: memref<24xi32, #tpu.memory_space<smem>>, %arg2: memref<1xi32, #tpu.memory_space<smem>>) -> (i32, i32, i32) {
    %get3A = arith.index_cast %arg0 : i32 to index
    %get3A_0 = memref.load %arg1[%get3A] : memref<24xi32, #tpu.memory_space<smem>>
    %c0_i32 = arith.constant 0 : i32
    %c0_i32_1 = arith.constant 0 : i32
    %c0_i32_2 = arith.constant 0 : i32
    return %get3A_0, %c0_i32, %c0_i32_1 : i32, i32, i32
  }
  func.func @transform_2(%arg0: i32, %arg1: memref<24xi32, #tpu.memory_space<smem>>, %arg2: memref<1xi32, #tpu.memory_space<smem>>) -> (i32, i32) {
    %get3A = arith.constant 0 : index
    %get3A_0 = memref.load %arg2[%get3A] : memref<1xi32, #tpu.memory_space<smem>>
    %min3A = arith.minsi %arg0, %get3A_0 : i32
    %c0_i32 = arith.constant 0 : i32
    %c0_i32_1 = arith.constant 0 : i32
    return %min3A, %c0_i32 : i32, i32
  }
}

module attributes {stable_mosaic.version = 14 : i64} {
  func.func @_sgemm1_body(%arg0: i32, %arg1: memref<256x2048xf32, #tpu.memory_space<vmem>>, %arg2: memref<1408x2048xf32, #tpu.memory_space<vmem>>, %arg3: memref<1408x2048xf32, #tpu.memory_space<vmem>>, %arg4: memref<256x1408xbf16, #tpu.memory_space<vmem>>) attributes {dimension_semantics = [#tpu.dimension_semantics<arbitrary>], iteration_bounds = array<i64: 8>, scalar_prefetch = 0 : i64, scratch_operands = 0 : i64, tpu.core_type = #tpu.core_type<tc>, window_params = [{transform_indices = @transform_0, window_bounds = array<i64: 256, 2048>}, {pipeline_mode = #tpu.pipeline_mode<synchronous>, transform_indices = @transform_1, window_bounds = array<i64: 1408, 2048>}, {pipeline_mode = #tpu.pipeline_mode<synchronous>, transform_indices = @transform_2, window_bounds = array<i64: 1408, 2048>}, {transform_indices = @transform_3, window_bounds = array<i64: 256, 1408>}]} {
    %get3A = arith.constant 0 : index
    %get3A_0 = arith.constant 0 : index
    %get3A_1 = vector.load %arg1[%get3A, %get3A_0] : memref<256x2048xf32, #tpu.memory_space<vmem>>, vector<256x2048xf32>
    %convert_element_type3A = arith.truncf %get3A_1 : vector<256x2048xf32> to vector<256x2048xbf16>
    %get3A_2 = arith.constant 0 : index
    %get3A_3 = arith.constant 0 : index
    %get3A_4 = vector.load %arg2[%get3A_2, %get3A_3] : memref<1408x2048xf32, #tpu.memory_space<vmem>>, vector<1408x2048xf32>
    %convert_element_type3A_5 = arith.truncf %get3A_4 : vector<1408x2048xf32> to vector<1408x2048xbf16>
    %dot_general3A = arith.constant dense<0.000000e+00> : vector<256x1408xf32>
    %dot_general3A_6 = tpu.matmul %convert_element_type3A, %convert_element_type3A_5, %dot_general3A {dimension_numbers = #tpu.dot_dimension_numbers<[1], [1], [0], [0], [0, 0, 1, 0], [], []>, transpose_lhs_hint = false} : vector<256x2048xbf16>, vector<1408x2048xbf16>, vector<256x1408xf32> -> vector<256x1408xf32>
    %get3A_7 = arith.constant 0 : index
    %get3A_8 = arith.constant 0 : index
    %get3A_9 = vector.load %arg3[%get3A_7, %get3A_8] : memref<1408x2048xf32, #tpu.memory_space<vmem>>, vector<1408x2048xf32>
    %convert_element_type3A_10 = arith.truncf %get3A_9 : vector<1408x2048xf32> to vector<1408x2048xbf16>
    %dot_general3A_11 = arith.constant dense<0.000000e+00> : vector<256x1408xf32>
    %dot_general3A_12 = tpu.matmul %convert_element_type3A, %convert_element_type3A_10, %dot_general3A_11 {dimension_numbers = #tpu.dot_dimension_numbers<[1], [1], [0], [0], [0, 0, 1, 0], [], []>, transpose_lhs_hint = false} : vector<256x2048xbf16>, vector<1408x2048xbf16>, vector<256x1408xf32> -> vector<256x1408xf32>
    %neg3A = arith.constant 0.000000e+00 : f32
    %neg3A_13 = vector.broadcast %neg3A : f32 to vector<256x1408xf32>
    %neg3A_14 = arith.subf %neg3A_13, %dot_general3A_6 : vector<256x1408xf32>
    %exp3A = math.exp %neg3A_14 : vector<256x1408xf32>
    %add3A = arith.constant 1.000000e+00 : f32
    %add3A_15 = vector.broadcast %add3A : f32 to vector<256x1408xf32>
    %add3A_16 = arith.addf %add3A_15, %exp3A : vector<256x1408xf32>
    %div3A = arith.divf %dot_general3A_6, %add3A_16 : vector<256x1408xf32>
    %mul3A = arith.mulf %div3A, %dot_general3A_12 : vector<256x1408xf32>
    %convert_element_type3A_17 = arith.truncf %mul3A : vector<256x1408xf32> to vector<256x1408xbf16>
    %swap3A = arith.constant 0 : index
    %swap3A_18 = arith.constant 0 : index
    %swap3A_19 = vector.load %arg4[%swap3A, %swap3A_18] : memref<256x1408xbf16, #tpu.memory_space<vmem>>, vector<256x1408xbf16>
    tpu.vector_store %arg4[%swap3A, %swap3A_18], %convert_element_type3A_17 {strides = array<i32>} : memref<256x1408xbf16, #tpu.memory_space<vmem>>, vector<256x1408xbf16>,
    return
  }
  func.func @transform_0(%arg0: i32) -> (i32, i32) {
    %c0_i32 = arith.constant 0 : i32
    %c0_i32_0 = arith.constant 0 : i32
    return %arg0, %c0_i32 : i32, i32
  }
  func.func @transform_1(%arg0: i32) -> (i32, i32) {
    %c0_i32 = arith.constant 0 : i32
    %c0_i32_0 = arith.constant 0 : i32
    %c0_i32_1 = arith.constant 0 : i32
    return %c0_i32, %c0_i32_0 : i32, i32
  }
  func.func @transform_2(%arg0: i32) -> (i32, i32) {
    %c0_i32 = arith.constant 0 : i32
    %c0_i32_0 = arith.constant 0 : i32
    %c0_i32_1 = arith.constant 0 : i32
    return %c0_i32, %c0_i32_0 : i32, i32
  }
  func.func @transform_3(%arg0: i32) -> (i32, i32) {
    %c0_i32 = arith.constant 0 : i32
    %c0_i32_0 = arith.constant 0 : i32
    return %arg0, %c0_i32 : i32, i32
  }
}

module attributes {stable_mosaic.version = 14 : i64} {
  func.func @_sgemm2_body(%arg0: i32, %arg1: memref<256x1408xbf16, #tpu.memory_space<vmem>>, %arg2: memref<2048x1408xf32, #tpu.memory_space<vmem>>, %arg3: memref<256x2048xf32, #tpu.memory_space<vmem>>, %arg4: memref<256x2048xf32, #tpu.memory_space<vmem>>, %arg5: memref<256x8xf32, #tpu.memory_space<vmem>>, %arg6: memref<256x2048xf32, #tpu.memory_space<vmem>>) attributes {dimension_semantics = [#tpu.dimension_semantics<arbitrary>], iteration_bounds = array<i64: 8>, scalar_prefetch = 0 : i64, scratch_operands = 0 : i64, tpu.core_type = #tpu.core_type<tc>, window_params = [{transform_indices = @transform_0, window_bounds = array<i64: 256, 1408>}, {pipeline_mode = #tpu.pipeline_mode<synchronous>, transform_indices = @transform_1, window_bounds = array<i64: 2048, 1408>}, {transform_indices = @transform_2, window_bounds = array<i64: 256, 2048>}, {transform_indices = @transform_3, window_bounds = array<i64: 256, 2048>}, {transform_indices = @transform_4, window_bounds = array<i64: 256, 8>}, {transform_indices = @transform_5, window_bounds = array<i64: 256, 2048>}]} {
    %get3A = arith.constant 0 : index
    %get3A_0 = arith.constant 0 : index
    %get3A_1 = vector.load %arg1[%get3A, %get3A_0] : memref<256x1408xbf16, #tpu.memory_space<vmem>>, vector<256x1408xbf16>
    %get3A_2 = arith.constant 0 : index
    %get3A_3 = arith.constant 0 : index
    %get3A_4 = vector.load %arg2[%get3A_2, %get3A_3] : memref<2048x1408xf32, #tpu.memory_space<vmem>>, vector<2048x1408xf32>
    %convert_element_type3A = arith.truncf %get3A_4 : vector<2048x1408xf32> to vector<2048x1408xbf16>
    %dot_general3A = arith.constant dense<0.000000e+00> : vector<256x2048xf32>
    %dot_general3A_5 = tpu.matmul %get3A_1, %convert_element_type3A, %dot_general3A {dimension_numbers = #tpu.dot_dimension_numbers<[1], [1], [0], [0], [0, 0, 1, 0], [], []>, transpose_lhs_hint = false} : vector<256x1408xbf16>, vector<2048x1408xbf16>, vector<256x2048xf32> -> vector<256x2048xf32>
    %get3A_6 = arith.constant 0 : index
    %get3A_7 = arith.constant 0 : index
    %get3A_8 = vector.load %arg5[%get3A_6, %get3A_7] : memref<256x8xf32, #tpu.memory_space<vmem>>, vector<256x1xf32>
    %get3A_9 = arith.constant 0 : index
    %get3A_10 = arith.constant 1 : index
    %get3A_11 = vector.load %arg5[%get3A_9, %get3A_10] : memref<256x8xf32, #tpu.memory_space<vmem>>, vector<256x1xf32>
    %get3A_12 = arith.constant 0 : index
    %get3A_13 = arith.constant 0 : index
    %get3A_14 = vector.load %arg3[%get3A_12, %get3A_13] : memref<256x2048xf32, #tpu.memory_space<vmem>>, vector<256x2048xf32>
    %mul3A = vector.broadcast %get3A_8 : vector<256x1xf32> to vector<256x2048xf32>
    %mul3A_15 = arith.mulf %mul3A, %get3A_14 : vector<256x2048xf32>
    %add3A = arith.addf %dot_general3A_5, %mul3A_15 : vector<256x2048xf32>
    %get3A_16 = arith.constant 0 : index
    %get3A_17 = arith.constant 0 : index
    %get3A_18 = vector.load %arg4[%get3A_16, %get3A_17] : memref<256x2048xf32, #tpu.memory_space<vmem>>, vector<256x2048xf32>
    %mul3A_19 = vector.broadcast %get3A_11 : vector<256x1xf32> to vector<256x2048xf32>
    %mul3A_20 = arith.mulf %mul3A_19, %get3A_18 : vector<256x2048xf32>
    %add3A_21 = arith.addf %add3A, %mul3A_20 : vector<256x2048xf32>
    %swap3A = arith.constant 0 : index
    %swap3A_22 = arith.constant 0 : index
    %swap3A_23 = vector.load %arg6[%swap3A, %swap3A_22] : memref<256x2048xf32, #tpu.memory_space<vmem>>, vector<256x2048xf32>
    tpu.vector_store %arg6[%swap3A, %swap3A_22], %add3A_21 {strides = array<i32>} : memref<256x2048xf32, #tpu.memory_space<vmem>>, vector<256x2048xf32>,
    return
  }
  func.func @transform_0(%arg0: i32) -> (i32, i32) {
    %c0_i32 = arith.constant 0 : i32
    %c0_i32_0 = arith.constant 0 : i32
    return %arg0, %c0_i32 : i32, i32
  }
  func.func @transform_1(%arg0: i32) -> (i32, i32) {
    %c0_i32 = arith.constant 0 : i32
    %c0_i32_0 = arith.constant 0 : i32
    %c0_i32_1 = arith.constant 0 : i32
    return %c0_i32, %c0_i32_0 : i32, i32
  }
  func.func @transform_2(%arg0: i32) -> (i32, i32) {
    %c0_i32 = arith.constant 0 : i32
    %c0_i32_0 = arith.constant 0 : i32
    return %arg0, %c0_i32 : i32, i32
  }
  func.func @transform_3(%arg0: i32) -> (i32, i32) {
    %c0_i32 = arith.constant 0 : i32
    %c0_i32_0 = arith.constant 0 : i32
    return %arg0, %c0_i32 : i32, i32
  }
  func.func @transform_4(%arg0: i32) -> (i32, i32) {
    %c0_i32 = arith.constant 0 : i32
    %c0_i32_0 = arith.constant 0 : i32
    return %arg0, %c0_i32 : i32, i32
  }
  func.func @transform_5(%arg0: i32) -> (i32, i32) {
    %c0_i32 = arith.constant 0 : i32
    %c0_i32_0 = arith.constant 0 : i32
    return %arg0, %c0_i32 : i32, i32
  }
}

</mosaic_0001>

<sc_bundles>
// kernel: kernel.12.cloned.1.call-start
scs
__scs_entry_jumppad:
0x0: {  	(pc) =	sbr.rel $0x88, $3  }
0x1: {  	(tag) =	ssettag $0x0;
	lr =	simm.s32 $0x1  }
0x2: {  	[smem:$0x3F9A] =	sst lr;
	_ =	strace $0xD0000000  }
0x3: {  	_ = 	snop  }
0x4: {  	_ = 	snop  }
0x5: {  	_ = 	snop  }
0x6: {  	_ = 	snop  }
0x7: {  	_ = 	snop  }
__scs_overlays_trampoline_lowered:
0x8: {  	[smem:$0x3FA9] =	sst s0  }
0x9: {  	[smem:$0x3FAA] =	sst s1  }
0xa: {  	[smem:$0x3FAB] =	sst s2  }
0xb: {  	[smem:$0x3FAC] =	sst s3  }
0xc: {  	[smem:$0x3FAD] =	sst s4  }
0xd: {  	[smem:$0x3FAE] =	sst s5  }
0xe: {  	[smem:$0x3FAF] =	sst s6  }
0xf: {  	[smem:$0x3FB0] =	sst s7  }
0x10: {  	[smem:$0x3FB1] =	sst s8  }
0x11: {  	[smem:$0x3FB2] =	sst s9;
	s0 =	simm.s32 @!p0 $0x0  }
0x12: {  	s1 =	sld [smem:$0x3F98];
	s0 =	simm.s32 @p0 $0x1  }
0x13: {  	[smem:$0x3FB3] =	sst s0;
	s0 =	simm.s32 @!p1 $0x0  }
0x14: {  	s2 =	sld [smem:$0x3F97];
	s0 =	simm.s32 @p1 $0x1  }
0x15: {  	[smem:$0x3FB4] =	sst s0;
	s0 =	simm.s32 @!p2 $0x0  }
0x16: {  	s3 =	sld [smem:$0x3FDB];
	s0 =	simm.s32 @p2 $0x1  }
0x17: {  	s4 =	simm.s32 $0x1BF5;
	[smem:$0x3FB6] =	sst s0  }
0x18: {  	s0 =	sld [smem:$0x3F99];
	_ =	swait.ge [sflag:s4], $0x0  }
0x19: {  	s7 =	sld [smem:$0x3F9A]  }
0x1a: {  	s8 =	sadd.s32 $0xFFFFE003, lr  }
0x1b: {  	s9 =	sadd.s32 $0xFFFFFEF7, lr;
	s5 =	simm.s32 $0xFFFFFFFF;
	p2 =	slt.u32 s8, $0xFFFFF086  }
0x1c: {  	p1 =	slt.u32 s9, $0xF7A;
	s5 =	simm.s32 @!p2 $0x0  }
0x1d: {  	s5 =	simm.s32 @p1 $0x1;
	p0 =	seq.s32 s7, s2  }
0x1e: {  	s7 =	smul.u32 @!p0 $0xF7A, s2;
	p2 =	seq.s32 @!p0 s5, $0x0  }
0x1f: {  	s9 =	smul.u32 $0xF7A, s1;
	s8 =	simm.s32 @!p0 $0x1BF5;
	p2 =	por !p2, p0  }
0x20: {  	[sflag:s8] =	ssyncset.s32 @!p0 $0xFFFFF086;
	s6 =	sadd.s32 @!p0 s3, s7;
	s7 =	simm.s32 @!p0 $0x108  }
0x21: {  	s3 =	sadd.s32 s3, s9;
	s6 =	sadd.s32 @!p0 $0x88, s6;
	s7 =	simm.s32 @p2 $0x1082  }
0x22: {  	[simem:s7], [sflag:s8] =	dma.local @!p0 [hbm:s6], $0xF7A  }
0x23: {  	s9 =	sor.u32 $0xD0000000, s2;
	s6 =	simm.s32 $0x108;
	_ =	swait.ge @!p0 [sflag:s8], $0x0  }
0x24: {  	s3 =	sadd.s32 $0x88, s3;
	s6 =	simm.s32 @!p1 $0x1082;
	[sflag:s4] =	ssyncset.s32 $0xFFFFF086  }
0x25: {  	[simem:s6], [sflag:s4] =	dma.local [hbm:s3], $0xF7A  }
0x26: {  	[smem:$0x3F9A] =	sst s1;
	(tag) =	ssettag s2;
	_ =	strace s9  }
0x27: {  	s1 =	sld [smem:$0x3FAA]  }
0x28: {  	s2 =	sld [smem:$0x3FAB]  }
0x29: {  	s4 =	sld [smem:$0x3FAD]  }
0x2a: {  	p0 =	seq.s32 s5, $0x0;
	s5 =	sld [smem:$0x3FAE]  }
0x2b: {  	s6 =	sld [smem:$0x3FAF]  }
0x2c: {  	s7 =	sld [smem:$0x3FB0]  }
0x2d: {  	s3 =	simm.s32 $0x108;
	s8 =	sld [smem:$0x3FB1]  }
0x2e: {  	s3 =	simm.s32 @!p0 $0x1082;
	s9 =	sld [smem:$0x3FB2]  }
0x2f: {  	lr =	sadd.s32 s0, s3;
	s0 =	sld [smem:$0x3FA9]  }
0x30: {  	s3 =	sld [smem:$0x3FAC]  }
0x31: {  	[smem:$0x3FB5] =	sst s10  }
0x32: {  	s10 =	sld [smem:$0x3FB3];
	_ =	sdelay $0x3  }
0x33: {  	p0 =	seq.s32 s10, $0x1;
	s10 =	sld [smem:$0x3FB5];
	_ =	sdelay $0x3  }
0x34: {  	[smem:$0x3FB5] =	sst s10  }
0x35: {  	s10 =	sld [smem:$0x3FB4];
	_ =	sdelay $0x3  }
0x36: {  	p1 =	seq.s32 s10, $0x1;
	s10 =	sld [smem:$0x3FB5];
	_ =	sdelay $0x3  }
0x37: {  	[smem:$0x3FB5] =	sst s10  }
0x38: {  	s10 =	sld [smem:$0x3FB6]  }
0x39: {  	_ = 	snop;
	(pc) =	sbr.ind lr, $3  }
0x3a: {  	_ = 	snop  }
0x3b: {  	_ = 	snop  }
0x3c: {  	p2 =	seq.s32 s10, $0x1;
	s10 =	sld [smem:$0x3FB5]  }
0x3d: {  	_ =	shalt  }
0x3e: {  	_ =	shalt  }
0x3f: {  	_ =	shalt  }
0x40: {  	_ =	shalt  }
0x41: {  	_ =	shalt  }
0x42: {  	_ =	shalt  }
0x43: {  	_ =	shalt  }
0x44: {  	_ =	shalt  }
0x45: {  	_ =	shalt  }
0x46: {  	_ =	shalt  }
0x47: {  	_ =	shalt  }
0x48: {  	_ =	shalt  }
0x49: {  	_ =	shalt  }
0x4a: {  	_ =	shalt  }
0x4b: {  	_ =	shalt  }
0x4c: {  	_ =	shalt  }
0x4d: {  	_ =	shalt  }
0x4e: {  	_ =	shalt  }
0x4f: {  	_ =	shalt  }
0x50: {  	_ =	shalt  }
0x51: {  	_ =	shalt  }
0x52: {  	_ =	shalt  }
0x53: {  	_ =	shalt  }
0x54: {  	_ =	shalt  }
0x55: {  	_ =	shalt  }
0x56: {  	_ =	shalt  }
0x57: {  	_ =	shalt  }
0x58: {  	_ =	shalt  }
0x59: {  	_ =	shalt  }
0x5a: {  	_ =	shalt  }
0x5b: {  	_ =	shalt  }
0x5c: {  	_ =	shalt  }
0x5d: {  	_ =	shalt  }
0x5e: {  	_ =	shalt  }
0x5f: {  	_ =	shalt  }
0x60: {  	_ =	shalt  }
0x61: {  	_ =	shalt  }
0x62: {  	_ =	shalt  }
0x63: {  	_ =	shalt  }
0x64: {  	_ =	shalt  }
0x65: {  	_ =	shalt  }
0x66: {  	_ =	shalt  }
0x67: {  	_ =	shalt  }
0x68: {  	_ =	shalt  }
0x69: {  	_ =	shalt  }
0x6a: {  	_ =	shalt  }
0x6b: {  	_ =	shalt  }
0x6c: {  	_ =	shalt  }
0x6d: {  	_ =	shalt  }
0x6e: {  	_ =	shalt  }
0x6f: {  	_ =	shalt  }
0x70: {  	_ =	shalt  }
0x71: {  	_ =	shalt  }
0x72: {  	_ =	shalt  }
0x73: {  	_ =	shalt  }
0x74: {  	_ =	shalt  }
0x75: {  	_ =	shalt  }
0x76: {  	_ =	shalt  }
0x77: {  	_ =	shalt  }
0x78: {  	_ =	shalt  }
0x79: {  	_ =	shalt  }
0x7a: {  	_ =	shalt  }
0x7b: {  	_ =	shalt  }
0x7c: {  	_ =	shalt  }
0x7d: {  	_ =	shalt  }
0x7e: {  	_ =	shalt  }
0x7f: {  	_ =	shalt  }
0x80: {  	_ =	shalt  }
0x81: {  	_ =	shalt  }
0x82: {  	_ =	shalt  }
0x83: {  	_ =	shalt  }
0x84: {  	_ =	shalt  }
0x85: {  	_ =	shalt  }
0x86: {  	_ =	shalt  }
0x87: {  	_ =	shalt  }
.Lfunc_end0:
.L_simem_size_0:
called_computation.1_lowered:
.L_overlay_start_0:
0x88: {  	s2 =	sld [smem:$0x3FD9]  }
0x89: {  	s3 =	sld [smem:$0x3FFE];
	_ =	sdelay $0x1  }
0x8a: {  	s1 =	srdreg.scid  }
0x8b: {  	s0 =	sand.u32 $0x1, s1  }
0x8c: {  	s16 =	sshll.u32 s0, $0xA;
	s2 =	sadd.s32 s3, s2  }
0x8d: {  	s2 =	sadd.s32 s2, s16  }
0x8e: {  	[smem:$0x3FC1] =	sst s2  }
0x8f: {  	_ = 	snop  }
0x90: {  	(tm) =	ssettm $0x1  }
0x91: {  	s17 =	sld [smem:$0x3FFB];
	_ =	sdelay $0x3  }
0x92: {  	_ =	strace s17  }
0x93: {  	s2 =	sld [smem:$0x3FFC];
	_ =	sdelay $0x3  }
0x94: {  	_ =	strace s2  }
0x95: {  	s2 =	sld [smem:$0x3FFD];
	_ =	sdelay $0x3  }
0x96: {  	_ =	strace s2  }
0x97: {  	_ =	strace $0x8FFFFFFF  }
0x98: {  	s18 =	sld [smem:$0x3FDB];
	_ =	sdelay $0x1  }
0x99: {  	s19 =	simm.s32 $_scs_section_size  }
0x9a: {  	s4 =	simm.s32 $_size__tile_overlayer_lowered;
	s5 =	simm.s32 $_tile_overlayer_lowered  }
0x9b: {  	s22 =	simm.s32 $0x1BFF;
	s21 =	sshll.u32 s5, $0x1;
	s2 =	sadd.s32 s19, s18  }
0x9c: {  	s6 =	simm.s32 $0x0;
	s20 =	sshll.u32 s4, $0x1;
	s4 =	sadd.s32 s21, s2  }
0x9d: {  	[timem:s6], [sflag:s22] =	dma.local [hbm:s4], s20  }
0x9e: {  	_ =	swait.ge [sflag:s22], s20  }
0x9f: {  	s3 =	ssub.s32 $0x0, s20;
	[sflag:s22] =	ssyncset.done $0x0  }
0xa0: {  	[sflag:s22] =	ssyncadd.s32 s3;
	_ =	sdelay $0x1  }
0xa1: {  	s23 =	simm.s32 $0x1B8B  }
0xa2: {  	_ =	swait.ge [sflag:s23], $0x1  }
0xa3: {  	[sflag:s23] =	ssyncset.done $0x0  }
0xa4: {  	s25 =	simm.s32 $0x1B8E;
	s24 =	sld [smem:$0x3FFE];
	[sflag:s23] =	ssyncadd.s32 $0xFFFFFFFF  }
0xa5: {  	s26 =	simm.s32 $execute0_lowered;
	[smem:$0x3FD2] =	sst s25  }
0xa6: {  	s4 =	sshll.u32 s26, $0x1;
	_ =	strace $0x80000049;
	[dreg:$0x1] =	wrdreg $0xFFFFFFFF  }
0xa7: {  	s28 =	simm.s32 $_size_execute0_lowered;
	s2 =	sadd.s32 s2, s4;
	[dreg:$0x0] =	wrdreg $0x0  }
0xa8: {  	s4 =	sshll.u32 s28, $0x1;
	[dreg:$0x2] =	wrdreg s2  }
0xa9: {  	[dreg:$0x3] =	wrdreg s4  }
0xaa: {  	[dreg:$0x4] =	wrdreg $0xC0  }
0xab: {  	_ =	task [dreg:s6], $0x5FFFF  }
0xac: {  	[dreg:$0x1] =	wrdreg $0xFFFFFFFF  }
0xad: {  	[dreg:$0x0] =	wrdreg $0x60  }
0xae: {  	[dreg:$0x2] =	wrdreg s24  }
0xaf: {  	[dreg:$0x3] =	wrdreg $0x9  }
0xb0: {  	_ =	task.clear_ibuf [dreg:s6], $0x4FFFF;
	_ =	strace $0x90000049  }
0xb1: {  	s29 =	simm.s32 $0x9;
	_ =	strace $0x8000004B  }
0xb2: {  	_ =	swait.ge [sflag:s29], $0x1  }
0xb3: {  	[sflag:s29] =	ssyncadd.s32 $0xFFFFFFFF  }
0xb4: {  	_ =	strace $0x9000004B  }
0xb5: {  	_ =	sfence  }
0xb6: {  	s30 =	sld [smem:$0x0];
	_ =	sdelay $0x2  }
0xb7: {  	s31 =	sshll.u32 s1, $0xD;
	s1 =	sshrl.u32 s1, $0x2  }
0xb8: {  	s3 =	sand.u32 $0x4000, s31;
	s1 =	sadd.s32 s1, s30  }
0xb9: {  	s0 =	sor.u32 s3, s0;
	s1 =	sshll.u32 s1, $0x11  }
0xba: {  	s0 =	sor.u32 s1, s0  }
0xbb: {  	s0 =	sadd.s32 $0x8F2B, s0  }
0xbc: {  	[sflag:s0] =	ssyncadd.remote.s32 $0x1  }
0xbd: {  	_ =	sfence.sel $0xFFFF  }
0xbe: {  	[dreg:$0x0] =	wrdreg $0xFFFFFFFF;
	(pc) =	sbr.abs _section_cstart, $3  }
0xbf: {  	[dreg:$0x1] =	wrdreg $0xFFFFFFFF  }
0xc0: {  	_ =	task.clear_ibuf [dreg:s6], $0x2FFFF;
	_ =	strace $0x9FFFFFFF  }
0xc1: {  	(tm) =	ssettm $0x7FFFFFFF  }
tec
execute0_lowered:
.L_overlay_start_1:
0x0: {  	(tag) =	ssettag $0x1  }
0x1: {  	s0 =	srdreg.scid;
	s1 =	rddreg [dreg:$0x0]  }
0x2: {  	s4 =	stileid.u32;
	s29 =	simm.s32 $0x800;
	s30 =	simm.s32 $0x1000  }
0x3: {  	s31 =	simm.s32 $0x1800;
	s14 =	simm.s32 $0x3800;
	s15 =	simm.s32 $0x4000  }
0x4: {  	s16 =	simm.s32 $0x4800;
	s17 =	simm.s32 $0x5000;
	s18 =	simm.s32 $0x5800  }
0x5: {  	s19 =	simm.s32 $0x6000;
	s20 =	simm.s32 $0x6800;
	s21 =	simm.s32 $0x7000  }
0x6: {  	s28 =	simm.s32 $0x9000;
	s0 =	sand.u32 $0x1, s0;
	s8 =	sadd.s32 $0x182000, s1  }
0x7: {  	s11 =	sadd.s32 $0x202000, s1;
	s7 =	sadd.s32 $0x1400, s1;
	s2 =	sshll.u32 s0, $0x4  }
0x8: {  	s0 =	ssub.s32 $0x2, s0;
	s6 =	sor.u32 s4, s2;
	s2 =	simm.s32 $0x0  }
0x9: {  	s4 =	sshll.u32 s4, $0x4;
	s22 =	sshrl.u32 s0, $0x1;
	s3 =	sshll.u32 s6, $0x4  }
0xa: {  	[smem:$0x7FF] =	sst s2;
	s4 =	sand.u32 $0x70, s4;
	s0 =	ssub.s32 s0, s22  }
0xb: {  	s10 =	sshll.u32 s6, $0xE;
	s6 =	sadd.s32 $0x1300, s1;
	s22 =	simm.s32 $0x7800  }
0xc: {  	s3 =	sand.u32 $0x180, s3;
	_ =	strace $0x8000004A;
	s12 =	sadd.s32 s8, s10  }
0xd: {  	s13 =	sor.u32 $0x2000, s10;
	s25 =	sadd.s32 s11, s10;
	s10 =	sadd.s32 $0x1700, s1  }
0xe: {  	s4 =	sor.u32 s4, s3;
	s3 =	sadd.s32 $0x1000, s1;
	[dreg:$0x3] =	wrdreg s12  }
0xf: {  	s23 =	sadd.s32 s8, s13;
	s8 =	sadd.s32 $0x1500, s1;
	[dreg:$0x6] =	wrdreg s25  }
0x10: {  	s26 =	sadd.s32 s11, s13;
	s11 =	smax.u32 s0, $0x1;
	s13 =	simm.s32 $0x2  }
0x11: {  	s25 =	simm.s32 $0x1;
	s12 =	simm.s32 $0x3000;
	s9 =	sadd.s32 s4, s1  }
0x12: {  	s4 =	sadd.s32 $0x1100, s1;
	[dreg:$0x4] =	wrdreg s23;
	s23 =	simm.s32 $0x8000  }
0x13: {  	v2 =	vlaneseq.u32;
	[dreg:$0x7] =	wrdreg s26;
	s5 =	sadd.s32 $0x181C00, s9;
	s24 =	sadd.s32 $0x181E00, s9  }
0x14: {  	vm0 =	vmmov $0xffff;
	v1 =	vshrl.u32 v2, $0x3;
	s9 =	sadd.s32 $0x1600, s1;
	[dreg:$0x2] =	wrdreg s5;
	s5 =	sadd.s32 $0x1200, s1  }
0x15: {  	v0 =	vand.u32 $0x7, v2;
	v2 =	vor.u32 $0x8, v2;
	v1 =	vmul.u32 $0x8, v1;
	[dreg:$0x5] =	wrdreg s24;
	s1 =	simm.s32 $0x2800;
	s24 =	simm.s32 $0x8800  }
.LBB2_1:
0x16: {  	s26 =	rddreg [dreg:$0x2];
	s0 =	simm.s32 $0x10000  }
0x17: {  	[tilespmem:s0], [sflag:$0x2] =	stream.linear.gather [hbm4b:s26+s2], $0x80, $0x38;
	[tilespmem:$0x10080] =	vst v63  }
0x18: {  	_ =	swait.ge [sflag:s13], $0x80  }
0x19: {  	[sflag:s13] =	ssyncset.done $0x0  }
0x1a: {  	[sflag:s13] =	ssyncadd.s32 $0xFFFFFF80  }
0x1b: {  	v3 =	vld [tilespmem:$0x10000];
	_ =	sdelay $0x4  }
0x1c: {  	v4 =	vshll.u32 v3, $0x4  }
0x1d: {  	v3 =	vand.u32 $0x7, v3;
	v4 =	vand.u32 $0xFFFFFF80, v4  }
0x1e: {  	v3 =	vor.u32 v3, v4  }
0x1f: {  	v4 =	vperm.xlane v3, v0;
	_ =	sdelay $0x1  }
0x20: {  	v4 =	vadd.s32 v1, v4;
	_ =	sdelay $0x4  }
0x21: {  	[tilespmem:s2], [sflag:$0x1] =	stream.indirect_vreg.gather [hbm4b:s3+s2], $0x80, v4, vm0, $0xb8;
	[tilespmem:$0x10080] =	vst v63  }
0x22: {  	_ = 	snop  }
0x23: {  	[tilespmem:s29], [sflag:$0x1] =	stream.indirect_vreg.gather [hbm4b:s4+s2], $0x80, v4, vm0, $0xb8;
	[tilespmem:$0x10080] =	vst v63  }
0x24: {  	_ = 	snop  }
0x25: {  	[tilespmem:s30], [sflag:$0x1] =	stream.indirect_vreg.gather [hbm4b:s5+s2], $0x80, v4, vm0, $0xb8;
	[tilespmem:$0x10080] =	vst v63  }
0x26: {  	_ = 	snop  }
0x27: {  	[tilespmem:s31], [sflag:$0x1] =	stream.indirect_vreg.gather [hbm4b:s6+s2], $0x80, v4, vm0, $0xb8;
	[tilespmem:$0x10080] =	vst v63  }
0x28: {  	s26 =	simm.s32 $0x2000  }
0x29: {  	[tilespmem:s26], [sflag:$0x1] =	stream.indirect_vreg.gather [hbm4b:s7+s2], $0x80, v4, vm0, $0xb8;
	[tilespmem:$0x10080] =	vst v63  }
0x2a: {  	v3 =	vperm.xlane v3, v2  }
0x2b: {  	[tilespmem:s1], [sflag:$0x1] =	stream.indirect_vreg.gather [hbm4b:s8+s2], $0x80, v4, vm0, $0xb8;
	[tilespmem:$0x10080] =	vst v63  }
0x2c: {  	v3 =	vadd.s32 v1, v3  }
0x2d: {  	[tilespmem:s12], [sflag:$0x1] =	stream.indirect_vreg.gather [hbm4b:s9+s2], $0x80, v4, vm0, $0xb8;
	[tilespmem:$0x10080] =	vst v63  }
0x2e: {  	_ = 	snop  }
0x2f: {  	[tilespmem:s14], [sflag:$0x1] =	stream.indirect_vreg.gather [hbm4b:s10+s2], $0x80, v4, vm0, $0xb8;
	[tilespmem:$0x10080] =	vst v63  }
0x30: {  	_ = 	snop  }
0x31: {  	[tilespmem:s15], [sflag:$0x1] =	stream.indirect_vreg.gather [hbm4b:s3+s2], $0x80, v3, vm0, $0xb8;
	[tilespmem:$0x10080] =	vst v63  }
0x32: {  	_ = 	snop  }
0x33: {  	[tilespmem:s16], [sflag:$0x1] =	stream.indirect_vreg.gather [hbm4b:s4+s2], $0x80, v3, vm0, $0xb8;
	[tilespmem:$0x10080] =	vst v63  }
0x34: {  	_ = 	snop  }
0x35: {  	[tilespmem:s17], [sflag:$0x1] =	stream.indirect_vreg.gather [hbm4b:s5+s2], $0x80, v3, vm0, $0xb8;
	[tilespmem:$0x10080] =	vst v63  }
0x36: {  	_ = 	snop  }
0x37: {  	[tilespmem:s18], [sflag:$0x1] =	stream.indirect_vreg.gather [hbm4b:s6+s2], $0x80, v3, vm0, $0xb8;
	[tilespmem:$0x10080] =	vst v63  }
0x38: {  	_ = 	snop  }
0x39: {  	[tilespmem:s19], [sflag:$0x1] =	stream.indirect_vreg.gather [hbm4b:s7+s2], $0x80, v3, vm0, $0xb8;
	[tilespmem:$0x10080] =	vst v63  }
0x3a: {  	_ = 	snop  }
0x3b: {  	[tilespmem:s20], [sflag:$0x1] =	stream.indirect_vreg.gather [hbm4b:s8+s2], $0x80, v3, vm0, $0xb8;
	[tilespmem:$0x10080] =	vst v63  }
0x3c: {  	_ = 	snop  }
0x3d: {  	[tilespmem:s21], [sflag:$0x1] =	stream.indirect_vreg.gather [hbm4b:s9+s2], $0x80, v3, vm0, $0xb8;
	[tilespmem:$0x10080] =	vst v63  }
0x3e: {  	_ = 	snop  }
0x3f: {  	[tilespmem:s22], [sflag:$0x1] =	stream.indirect_vreg.gather [hbm4b:s10+s2], $0x80, v3, vm0, $0xb8;
	[tilespmem:$0x10080] =	vst v63  }
0x40: {  	v3 =	vld [tilespmem:$0x10010];
	_ =	sdelay $0x4  }
0x41: {  	v57 =	vshll.u32 v3, $0x4  }
0x42: {  	v3 =	vand.u32 $0x7, v3;
	v4 =	vand.u32 $0xFFFFFF80, v57  }
0x43: {  	v3 =	vor.u32 v3, v4  }
0x44: {  	v4 =	vperm.xlane v3, v0;
	_ =	sdelay $0x1  }
0x45: {  	v4 =	vadd.s32 v1, v4;
	_ =	sdelay $0x4  }
0x46: {  	[tilespmem:s23], [sflag:$0x1] =	stream.indirect_vreg.gather [hbm4b:s3+s2], $0x80, v4, vm0, $0xb8;
	[tilespmem:$0x10080] =	vst v63  }
0x47: {  	_ = 	snop  }
0x48: {  	[tilespmem:s24], [sflag:$0x1] =	stream.indirect_vreg.gather [hbm4b:s4+s2], $0x80, v4, vm0, $0xb8;
	[tilespmem:$0x10080] =	vst v63  }
0x49: {  	_ = 	snop  }
0x4a: {  	[tilespmem:s28], [sflag:$0x1] =	stream.indirect_vreg.gather [hbm4b:s5+s2], $0x80, v4, vm0, $0xb8;
	[tilespmem:$0x10080] =	vst v63  }
0x4b: {  	s26 =	simm.s32 $0x9800  }
0x4c: {  	[tilespmem:s26], [sflag:$0x1] =	stream.indirect_vreg.gather [hbm4b:s6+s2], $0x80, v4, vm0, $0xb8;
	[tilespmem:$0x10080] =	vst v63  }
0x4d: {  	s26 =	simm.s32 $0xA000  }
0x4e: {  	[tilespmem:s26], [sflag:$0x1] =	stream.indirect_vreg.gather [hbm4b:s7+s2], $0x80, v4, vm0, $0xb8;
	[tilespmem:$0x10080] =	vst v63  }
0x4f: {  	v3 =	vperm.xlane v3, v2;
	s26 =	simm.s32 $0xA800  }
0x50: {  	[tilespmem:s26], [sflag:$0x1] =	stream.indirect_vreg.gather [hbm4b:s8+s2], $0x80, v4, vm0, $0xb8;
	[tilespmem:$0x10080] =	vst v63  }
0x51: {  	v3 =	vadd.s32 v1, v3;
	s26 =	simm.s32 $0xB000  }
0x52: {  	[tilespmem:s26], [sflag:$0x1] =	stream.indirect_vreg.gather [hbm4b:s9+s2], $0x80, v4, vm0, $0xb8;
	[tilespmem:$0x10080] =	vst v63  }
0x53: {  	s26 =	simm.s32 $0xB800  }
0x54: {  	[tilespmem:s26], [sflag:$0x1] =	stream.indirect_vreg.gather [hbm4b:s10+s2], $0x80, v4, vm0, $0xb8;
	[tilespmem:$0x10080] =	vst v63  }
0x55: {  	s26 =	simm.s32 $0xC000  }
0x56: {  	[tilespmem:s26], [sflag:$0x1] =	stream.indirect_vreg.gather [hbm4b:s3+s2], $0x80, v3, vm0, $0xb8;
	[tilespmem:$0x10080] =	vst v63  }
0x57: {  	s26 =	simm.s32 $0xC800  }
0x58: {  	[tilespmem:s26], [sflag:$0x1] =	stream.indirect_vreg.gather [hbm4b:s4+s2], $0x80, v3, vm0, $0xb8;
	[tilespmem:$0x10080] =	vst v63  }
0x59: {  	s26 =	simm.s32 $0xD000  }
0x5a: {  	[tilespmem:s26], [sflag:$0x1] =	stream.indirect_vreg.gather [hbm4b:s5+s2], $0x80, v3, vm0, $0xb8;
	[tilespmem:$0x10080] =	vst v63  }
0x5b: {  	s26 =	simm.s32 $0xD800  }
0x5c: {  	[tilespmem:s26], [sflag:$0x1] =	stream.indirect_vreg.gather [hbm4b:s6+s2], $0x80, v3, vm0, $0xb8;
	[tilespmem:$0x10080] =	vst v63  }
0x5d: {  	s26 =	simm.s32 $0xE000  }
0x5e: {  	[tilespmem:s26], [sflag:$0x1] =	stream.indirect_vreg.gather [hbm4b:s7+s2], $0x80, v3, vm0, $0xb8;
	[tilespmem:$0x10080] =	vst v63  }
0x5f: {  	s26 =	simm.s32 $0xE800  }
0x60: {  	[tilespmem:s26], [sflag:$0x1] =	stream.indirect_vreg.gather [hbm4b:s8+s2], $0x80, v3, vm0, $0xb8;
	[tilespmem:$0x10080] =	vst v63  }
0x61: {  	s26 =	simm.s32 $0xF000  }
0x62: {  	[tilespmem:s26], [sflag:$0x1] =	stream.indirect_vreg.gather [hbm4b:s9+s2], $0x80, v3, vm0, $0xb8;
	[tilespmem:$0x10080] =	vst v63  }
0x63: {  	s26 =	simm.s32 $0xF800  }
0x64: {  	[tilespmem:s26], [sflag:$0x1] =	stream.indirect_vreg.gather [hbm4b:s10+s2], $0x80, v3, vm0, $0xb8;
	[tilespmem:$0x10080] =	vst v63  }
0x65: {  	_ =	swait.ge [sflag:s25], $0x10000  }
0x66: {  	[sflag:s25] =	ssyncset.done $0x0  }
0x67: {  	s26 =	rddreg [dreg:$0x3];
	[sflag:s25] =	ssyncadd.s32 $0xFFFF0000  }
0x68: {  	[hbm4b:s26+s2] =	stream.linear.scatter [tilespmem:s2], [sflag:$0x2], $0x10000, $0x38;
	[tilespmem:$0x10080] =	vst v63  }
0x69: {  	_ =	swait.ge [sflag:s13], $0x10000  }
0x6a: {  	[sflag:s13] =	ssyncset.done $0x0  }
0x6b: {  	[sflag:s13] =	ssyncadd.s32 $0xFFFF0000  }
0x6c: {  	v3 =	vld [tilespmem:$0x10020];
	_ =	sdelay $0x4  }
0x6d: {  	v58 =	vshll.u32 v3, $0x4  }
0x6e: {  	v3 =	vand.u32 $0x7, v3;
	v4 =	vand.u32 $0xFFFFFF80, v58  }
0x6f: {  	v3 =	vor.u32 v3, v4  }
0x70: {  	v4 =	vperm.xlane v3, v0;
	_ =	sdelay $0x1  }
0x71: {  	v4 =	vadd.s32 v1, v4;
	_ =	sdelay $0x4  }
0x72: {  	[tilespmem:s2], [sflag:$0x1] =	stream.indirect_vreg.gather [hbm4b:s3+s2], $0x80, v4, vm0, $0xb8;
	[tilespmem:$0x10080] =	vst v63  }
0x73: {  	_ = 	snop  }
0x74: {  	[tilespmem:s29], [sflag:$0x1] =	stream.indirect_vreg.gather [hbm4b:s4+s2], $0x80, v4, vm0, $0xb8;
	[tilespmem:$0x10080] =	vst v63  }
0x75: {  	_ = 	snop  }
0x76: {  	[tilespmem:s30], [sflag:$0x1] =	stream.indirect_vreg.gather [hbm4b:s5+s2], $0x80, v4, vm0, $0xb8;
	[tilespmem:$0x10080] =	vst v63  }
0x77: {  	_ = 	snop  }
0x78: {  	[tilespmem:s31], [sflag:$0x1] =	stream.indirect_vreg.gather [hbm4b:s6+s2], $0x80, v4, vm0, $0xb8;
	[tilespmem:$0x10080] =	vst v63  }
0x79: {  	s0 =	simm.s32 $0x2000  }
0x7a: {  	[tilespmem:s0], [sflag:$0x1] =	stream.indirect_vreg.gather [hbm4b:s7+s2], $0x80, v4, vm0, $0xb8;
	[tilespmem:$0x10080] =	vst v63  }
0x7b: {  	v3 =	vperm.xlane v3, v2  }
0x7c: {  	[tilespmem:s1], [sflag:$0x1] =	stream.indirect_vreg.gather [hbm4b:s8+s2], $0x80, v4, vm0, $0xb8;
	[tilespmem:$0x10080] =	vst v63  }
0x7d: {  	v3 =	vadd.s32 v1, v3  }
0x7e: {  	[tilespmem:s12], [sflag:$0x1] =	stream.indirect_vreg.gather [hbm4b:s9+s2], $0x80, v4, vm0, $0xb8;
	[tilespmem:$0x10080] =	vst v63  }
0x7f: {  	_ = 	snop  }
0x80: {  	[tilespmem:s14], [sflag:$0x1] =	stream.indirect_vreg.gather [hbm4b:s10+s2], $0x80, v4, vm0, $0xb8;
	[tilespmem:$0x10080] =	vst v63  }
0x81: {  	_ = 	snop  }
0x82: {  	[tilespmem:s15], [sflag:$0x1] =	stream.indirect_vreg.gather [hbm4b:s3+s2], $0x80, v3, vm0, $0xb8;
	[tilespmem:$0x10080] =	vst v63  }
0x83: {  	_ = 	snop  }
0x84: {  	[tilespmem:s16], [sflag:$0x1] =	stream.indirect_vreg.gather [hbm4b:s4+s2], $0x80, v3, vm0, $0xb8;
	[tilespmem:$0x10080] =	vst v63  }
0x85: {  	_ = 	snop  }
0x86: {  	[tilespmem:s17], [sflag:$0x1] =	stream.indirect_vreg.gather [hbm4b:s5+s2], $0x80, v3, vm0, $0xb8;
	[tilespmem:$0x10080] =	vst v63  }
0x87: {  	_ = 	snop  }
0x88: {  	[tilespmem:s18], [sflag:$0x1] =	stream.indirect_vreg.gather [hbm4b:s6+s2], $0x80, v3, vm0, $0xb8;
	[tilespmem:$0x10080] =	vst v63  }
0x89: {  	_ = 	snop  }
0x8a: {  	[tilespmem:s19], [sflag:$0x1] =	stream.indirect_vreg.gather [hbm4b:s7+s2], $0x80, v3, vm0, $0xb8;
	[tilespmem:$0x10080] =	vst v63  }
0x8b: {  	_ = 	snop  }
0x8c: {  	[tilespmem:s20], [sflag:$0x1] =	stream.indirect_vreg.gather [hbm4b:s8+s2], $0x80, v3, vm0, $0xb8;
	[tilespmem:$0x10080] =	vst v63  }
0x8d: {  	_ = 	snop  }
0x8e: {  	[tilespmem:s21], [sflag:$0x1] =	stream.indirect_vreg.gather [hbm4b:s9+s2], $0x80, v3, vm0, $0xb8;
	[tilespmem:$0x10080] =	vst v63  }
0x8f: {  	_ = 	snop  }
0x90: {  	[tilespmem:s22], [sflag:$0x1] =	stream.indirect_vreg.gather [hbm4b:s10+s2], $0x80, v3, vm0, $0xb8;
	[tilespmem:$0x10080] =	vst v63  }
0x91: {  	v3 =	vld [tilespmem:$0x10030];
	_ =	sdelay $0x4  }
0x92: {  	v59 =	vshll.u32 v3, $0x4  }
0x93: {  	v3 =	vand.u32 $0x7, v3;
	v4 =	vand.u32 $0xFFFFFF80, v59  }
0x94: {  	v3 =	vor.u32 v3, v4  }
0x95: {  	v4 =	vperm.xlane v3, v0;
	_ =	sdelay $0x1  }
0x96: {  	v4 =	vadd.s32 v1, v4;
	_ =	sdelay $0x4  }
0x97: {  	[tilespmem:s23], [sflag:$0x1] =	stream.indirect_vreg.gather [hbm4b:s3+s2], $0x80, v4, vm0, $0xb8;
	[tilespmem:$0x10080] =	vst v63  }
0x98: {  	_ = 	snop  }
0x99: {  	[tilespmem:s24], [sflag:$0x1] =	stream.indirect_vreg.gather [hbm4b:s4+s2], $0x80, v4, vm0, $0xb8;
	[tilespmem:$0x10080] =	vst v63  }
0x9a: {  	_ = 	snop  }
0x9b: {  	[tilespmem:s28], [sflag:$0x1] =	stream.indirect_vreg.gather [hbm4b:s5+s2], $0x80, v4, vm0, $0xb8;
	[tilespmem:$0x10080] =	vst v63  }
0x9c: {  	s26 =	simm.s32 $0x9800  }
0x9d: {  	[tilespmem:s26], [sflag:$0x1] =	stream.indirect_vreg.gather [hbm4b:s6+s2], $0x80, v4, vm0, $0xb8;
	[tilespmem:$0x10080] =	vst v63  }
0x9e: {  	s26 =	simm.s32 $0xA000  }
0x9f: {  	[tilespmem:s26], [sflag:$0x1] =	stream.indirect_vreg.gather [hbm4b:s7+s2], $0x80, v4, vm0, $0xb8;
	[tilespmem:$0x10080] =	vst v63  }
0xa0: {  	v3 =	vperm.xlane v3, v2;
	s26 =	simm.s32 $0xA800  }
0xa1: {  	[tilespmem:s26], [sflag:$0x1] =	stream.indirect_vreg.gather [hbm4b:s8+s2], $0x80, v4, vm0, $0xb8;
	[tilespmem:$0x10080] =	vst v63  }
0xa2: {  	v3 =	vadd.s32 v1, v3;
	s26 =	simm.s32 $0xB000  }
0xa3: {  	[tilespmem:s26], [sflag:$0x1] =	stream.indirect_vreg.gather [hbm4b:s9+s2], $0x80, v4, vm0, $0xb8;
	[tilespmem:$0x10080] =	vst v63  }
0xa4: {  	s26 =	simm.s32 $0xB800  }
0xa5: {  	[tilespmem:s26], [sflag:$0x1] =	stream.indirect_vreg.gather [hbm4b:s10+s2], $0x80, v4, vm0, $0xb8;
	[tilespmem:$0x10080] =	vst v63  }
0xa6: {  	s26 =	simm.s32 $0xC000  }
0xa7: {  	[tilespmem:s26], [sflag:$0x1] =	stream.indirect_vreg.gather [hbm4b:s3+s2], $0x80, v3, vm0, $0xb8;
	[tilespmem:$0x10080] =	vst v63  }
0xa8: {  	s26 =	simm.s32 $0xC800  }
0xa9: {  	[tilespmem:s26], [sflag:$0x1] =	stream.indirect_vreg.gather [hbm4b:s4+s2], $0x80, v3, vm0, $0xb8;
	[tilespmem:$0x10080] =	vst v63  }
0xaa: {  	s26 =	simm.s32 $0xD000  }
0xab: {  	[tilespmem:s26], [sflag:$0x1] =	stream.indirect_vreg.gather [hbm4b:s5+s2], $0x80, v3, vm0, $0xb8;
	[tilespmem:$0x10080] =	vst v63  }
0xac: {  	s26 =	simm.s32 $0xD800  }
0xad: {  	[tilespmem:s26], [sflag:$0x1] =	stream.indirect_vreg.gather [hbm4b:s6+s2], $0x80, v3, vm0, $0xb8;
	[tilespmem:$0x10080] =	vst v63  }
0xae: {  	s26 =	simm.s32 $0xE000  }
0xaf: {  	[tilespmem:s26], [sflag:$0x1] =	stream.indirect_vreg.gather [hbm4b:s7+s2], $0x80, v3, vm0, $0xb8;
	[tilespmem:$0x10080] =	vst v63  }
0xb0: {  	s26 =	simm.s32 $0xE800  }
0xb1: {  	[tilespmem:s26], [sflag:$0x1] =	stream.indirect_vreg.gather [hbm4b:s8+s2], $0x80, v3, vm0, $0xb8;
	[tilespmem:$0x10080] =	vst v63  }
0xb2: {  	s26 =	simm.s32 $0xF000  }
0xb3: {  	[tilespmem:s26], [sflag:$0x1] =	stream.indirect_vreg.gather [hbm4b:s9+s2], $0x80, v3, vm0, $0xb8;
	[tilespmem:$0x10080] =	vst v63  }
0xb4: {  	s26 =	simm.s32 $0xF800  }
0xb5: {  	[tilespmem:s26], [sflag:$0x1] =	stream.indirect_vreg.gather [hbm4b:s10+s2], $0x80, v3, vm0, $0xb8;
	[tilespmem:$0x10080] =	vst v63  }
0xb6: {  	_ =	swait.ge [sflag:s25], $0x10000  }
0xb7: {  	[sflag:s25] =	ssyncset.done $0x0  }
0xb8: {  	s0 =	rddreg [dreg:$0x4];
	[sflag:s25] =	ssyncadd.s32 $0xFFFF0000  }
0xb9: {  	[hbm4b:s0+s2] =	stream.linear.scatter [tilespmem:s2], [sflag:$0x2], $0x10000, $0x38;
	[tilespmem:$0x10080] =	vst v63  }
0xba: {  	_ =	swait.ge [sflag:s13], $0x10000  }
0xbb: {  	[sflag:s13] =	ssyncset.done $0x0  }
0xbc: {  	s0 =	simm.s32 $0x10000;
	s26 =	rddreg [dreg:$0x5];
	[sflag:s13] =	ssyncadd.s32 $0xFFFF0000  }
0xbd: {  	[tilespmem:s0], [sflag:$0x2] =	stream.linear.gather [hbm4b:s26+s2], $0x80, $0x38;
	[tilespmem:$0x10080] =	vst v63  }
0xbe: {  	_ =	swait.ge [sflag:s13], $0x80  }
0xbf: {  	[sflag:s13] =	ssyncset.done $0x0  }
0xc0: {  	[sflag:s13] =	ssyncadd.s32 $0xFFFFFF80  }
0xc1: {  	v3 =	vld [tilespmem:$0x10000];
	_ =	sdelay $0x4  }
0xc2: {  	v60 =	vshll.u32 v3, $0x4  }
0xc3: {  	v3 =	vand.u32 $0x7, v3;
	v4 =	vand.u32 $0xFFFFFF80, v60  }
0xc4: {  	v3 =	vor.u32 v3, v4  }
0xc5: {  	v4 =	vperm.xlane v3, v0;
	_ =	sdelay $0x1  }
0xc6: {  	v4 =	vadd.s32 v1, v4;
	_ =	sdelay $0x4  }
0xc7: {  	[tilespmem:s2], [sflag:$0x1] =	stream.indirect_vreg.gather [hbm4b:s3+s2], $0x80, v4, vm0, $0xb8;
	[tilespmem:$0x10080] =	vst v63  }
0xc8: {  	_ = 	snop  }
0xc9: {  	[tilespmem:s29], [sflag:$0x1] =	stream.indirect_vreg.gather [hbm4b:s4+s2], $0x80, v4, vm0, $0xb8;
	[tilespmem:$0x10080] =	vst v63  }
0xca: {  	_ = 	snop  }
0xcb: {  	[tilespmem:s30], [sflag:$0x1] =	stream.indirect_vreg.gather [hbm4b:s5+s2], $0x80, v4, vm0, $0xb8;
	[tilespmem:$0x10080] =	vst v63  }
0xcc: {  	_ = 	snop  }
0xcd: {  	[tilespmem:s31], [sflag:$0x1] =	stream.indirect_vreg.gather [hbm4b:s6+s2], $0x80, v4, vm0, $0xb8;
	[tilespmem:$0x10080] =	vst v63  }
0xce: {  	s0 =	simm.s32 $0x2000  }
0xcf: {  	[tilespmem:s0], [sflag:$0x1] =	stream.indirect_vreg.gather [hbm4b:s7+s2], $0x80, v4, vm0, $0xb8;
	[tilespmem:$0x10080] =	vst v63  }
0xd0: {  	v3 =	vperm.xlane v3, v2  }
0xd1: {  	[tilespmem:s1], [sflag:$0x1] =	stream.indirect_vreg.gather [hbm4b:s8+s2], $0x80, v4, vm0, $0xb8;
	[tilespmem:$0x10080] =	vst v63  }
0xd2: {  	v3 =	vadd.s32 v1, v3  }
0xd3: {  	[tilespmem:s12], [sflag:$0x1] =	stream.indirect_vreg.gather [hbm4b:s9+s2], $0x80, v4, vm0, $0xb8;
	[tilespmem:$0x10080] =	vst v63  }
0xd4: {  	_ = 	snop  }
0xd5: {  	[tilespmem:s14], [sflag:$0x1] =	stream.indirect_vreg.gather [hbm4b:s10+s2], $0x80, v4, vm0, $0xb8;
	[tilespmem:$0x10080] =	vst v63  }
0xd6: {  	_ = 	snop  }
0xd7: {  	[tilespmem:s15], [sflag:$0x1] =	stream.indirect_vreg.gather [hbm4b:s3+s2], $0x80, v3, vm0, $0xb8;
	[tilespmem:$0x10080] =	vst v63  }
0xd8: {  	_ = 	snop  }
0xd9: {  	[tilespmem:s16], [sflag:$0x1] =	stream.indirect_vreg.gather [hbm4b:s4+s2], $0x80, v3, vm0, $0xb8;
	[tilespmem:$0x10080] =	vst v63  }
0xda: {  	_ = 	snop  }
0xdb: {  	[tilespmem:s17], [sflag:$0x1] =	stream.indirect_vreg.gather [hbm4b:s5+s2], $0x80, v3, vm0, $0xb8;
	[tilespmem:$0x10080] =	vst v63  }
0xdc: {  	_ = 	snop  }
0xdd: {  	[tilespmem:s18], [sflag:$0x1] =	stream.indirect_vreg.gather [hbm4b:s6+s2], $0x80, v3, vm0, $0xb8;
	[tilespmem:$0x10080] =	vst v63  }
0xde: {  	_ = 	snop  }
0xdf: {  	[tilespmem:s19], [sflag:$0x1] =	stream.indirect_vreg.gather [hbm4b:s7+s2], $0x80, v3, vm0, $0xb8;
	[tilespmem:$0x10080] =	vst v63  }
0xe0: {  	_ = 	snop  }
0xe1: {  	[tilespmem:s20], [sflag:$0x1] =	stream.indirect_vreg.gather [hbm4b:s8+s2], $0x80, v3, vm0, $0xb8;
	[tilespmem:$0x10080] =	vst v63  }
0xe2: {  	_ = 	snop  }
0xe3: {  	[tilespmem:s21], [sflag:$0x1] =	stream.indirect_vreg.gather [hbm4b:s9+s2], $0x80, v3, vm0, $0xb8;
	[tilespmem:$0x10080] =	vst v63  }
0xe4: {  	_ = 	snop  }
0xe5: {  	[tilespmem:s22], [sflag:$0x1] =	stream.indirect_vreg.gather [hbm4b:s10+s2], $0x80, v3, vm0, $0xb8;
	[tilespmem:$0x10080] =	vst v63  }
0xe6: {  	v3 =	vld [tilespmem:$0x10010];
	_ =	sdelay $0x4  }
0xe7: {  	v61 =	vshll.u32 v3, $0x4  }
0xe8: {  	v3 =	vand.u32 $0x7, v3;
	v4 =	vand.u32 $0xFFFFFF80, v61  }
0xe9: {  	v3 =	vor.u32 v3, v4  }
0xea: {  	v4 =	vperm.xlane v3, v0;
	_ =	sdelay $0x1  }
0xeb: {  	v4 =	vadd.s32 v1, v4;
	_ =	sdelay $0x4  }
0xec: {  	[tilespmem:s23], [sflag:$0x1] =	stream.indirect_vreg.gather [hbm4b:s3+s2], $0x80, v4, vm0, $0xb8;
	[tilespmem:$0x10080] =	vst v63  }
0xed: {  	_ = 	snop  }
0xee: {  	[tilespmem:s24], [sflag:$0x1] =	stream.indirect_vreg.gather [hbm4b:s4+s2], $0x80, v4, vm0, $0xb8;
	[tilespmem:$0x10080] =	vst v63  }
0xef: {  	_ = 	snop  }
0xf0: {  	[tilespmem:s28], [sflag:$0x1] =	stream.indirect_vreg.gather [hbm4b:s5+s2], $0x80, v4, vm0, $0xb8;
	[tilespmem:$0x10080] =	vst v63  }
0xf1: {  	s26 =	simm.s32 $0x9800  }
0xf2: {  	[tilespmem:s26], [sflag:$0x1] =	stream.indirect_vreg.gather [hbm4b:s6+s2], $0x80, v4, vm0, $0xb8;
	[tilespmem:$0x10080] =	vst v63  }
0xf3: {  	s26 =	simm.s32 $0xA000  }
0xf4: {  	[tilespmem:s26], [sflag:$0x1] =	stream.indirect_vreg.gather [hbm4b:s7+s2], $0x80, v4, vm0, $0xb8;
	[tilespmem:$0x10080] =	vst v63  }
0xf5: {  	v3 =	vperm.xlane v3, v2;
	s26 =	simm.s32 $0xA800  }
0xf6: {  	[tilespmem:s26], [sflag:$0x1] =	stream.indirect_vreg.gather [hbm4b:s8+s2], $0x80, v4, vm0, $0xb8;
	[tilespmem:$0x10080] =	vst v63  }
0xf7: {  	v3 =	vadd.s32 v1, v3;
	s26 =	simm.s32 $0xB000  }
0xf8: {  	[tilespmem:s26], [sflag:$0x1] =	stream.indirect_vreg.gather [hbm4b:s9+s2], $0x80, v4, vm0, $0xb8;
	[tilespmem:$0x10080] =	vst v63  }
0xf9: {  	s26 =	simm.s32 $0xB800  }
0xfa: {  	[tilespmem:s26], [sflag:$0x1] =	stream.indirect_vreg.gather [hbm4b:s10+s2], $0x80, v4, vm0, $0xb8;
	[tilespmem:$0x10080] =	vst v63  }
0xfb: {  	s26 =	simm.s32 $0xC000  }
0xfc: {  	[tilespmem:s26], [sflag:$0x1] =	stream.indirect_vreg.gather [hbm4b:s3+s2], $0x80, v3, vm0, $0xb8;
	[tilespmem:$0x10080] =	vst v63  }
0xfd: {  	s26 =	simm.s32 $0xC800  }
0xfe: {  	[tilespmem:s26], [sflag:$0x1] =	stream.indirect_vreg.gather [hbm4b:s4+s2], $0x80, v3, vm0, $0xb8;
	[tilespmem:$0x10080] =	vst v63  }
0xff: {  	s26 =	simm.s32 $0xD000  }
0x100: {  	[tilespmem:s26], [sflag:$0x1] =	stream.indirect_vreg.gather [hbm4b:s5+s2], $0x80, v3, vm0, $0xb8;
	[tilespmem:$0x10080] =	vst v63  }
0x101: {  	s26 =	simm.s32 $0xD800  }
0x102: {  	[tilespmem:s26], [sflag:$0x1] =	stream.indirect_vreg.gather [hbm4b:s6+s2], $0x80, v3, vm0, $0xb8;
	[tilespmem:$0x10080] =	vst v63  }
0x103: {  	s26 =	simm.s32 $0xE000  }
0x104: {  	[tilespmem:s26], [sflag:$0x1] =	stream.indirect_vreg.gather [hbm4b:s7+s2], $0x80, v3, vm0, $0xb8;
	[tilespmem:$0x10080] =	vst v63  }
0x105: {  	s26 =	simm.s32 $0xE800  }
0x106: {  	[tilespmem:s26], [sflag:$0x1] =	stream.indirect_vreg.gather [hbm4b:s8+s2], $0x80, v3, vm0, $0xb8;
	[tilespmem:$0x10080] =	vst v63  }
0x107: {  	s26 =	simm.s32 $0xF000  }
0x108: {  	[tilespmem:s26], [sflag:$0x1] =	stream.indirect_vreg.gather [hbm4b:s9+s2], $0x80, v3, vm0, $0xb8;
	[tilespmem:$0x10080] =	vst v63  }
0x109: {  	s26 =	simm.s32 $0xF800  }
0x10a: {  	[tilespmem:s26], [sflag:$0x1] =	stream.indirect_vreg.gather [hbm4b:s10+s2], $0x80, v3, vm0, $0xb8;
	[tilespmem:$0x10080] =	vst v63  }
0x10b: {  	_ =	swait.ge [sflag:s25], $0x10000  }
0x10c: {  	[sflag:s25] =	ssyncset.done $0x0  }
0x10d: {  	s26 =	rddreg [dreg:$0x6];
	[sflag:s25] =	ssyncadd.s32 $0xFFFF0000  }
0x10e: {  	[hbm4b:s26+s2] =	stream.linear.scatter [tilespmem:s2], [sflag:$0x2], $0x10000, $0x38;
	[tilespmem:$0x10080] =	vst v63  }
0x10f: {  	_ =	swait.ge [sflag:s13], $0x10000  }
0x110: {  	[sflag:s13] =	ssyncset.done $0x0  }
0x111: {  	[sflag:s13] =	ssyncadd.s32 $0xFFFF0000  }
0x112: {  	v3 =	vld [tilespmem:$0x10020];
	_ =	sdelay $0x4  }
0x113: {  	v62 =	vshll.u32 v3, $0x4  }
0x114: {  	v3 =	vand.u32 $0x7, v3;
	v4 =	vand.u32 $0xFFFFFF80, v62  }
0x115: {  	v3 =	vor.u32 v3, v4  }
0x116: {  	v4 =	vperm.xlane v3, v0;
	_ =	sdelay $0x1  }
0x117: {  	v4 =	vadd.s32 v1, v4;
	_ =	sdelay $0x4  }
0x118: {  	[tilespmem:s2], [sflag:$0x1] =	stream.indirect_vreg.gather [hbm4b:s3+s2], $0x80, v4, vm0, $0xb8;
	[tilespmem:$0x10080] =	vst v63  }
0x119: {  	_ = 	snop  }
0x11a: {  	[tilespmem:s29], [sflag:$0x1] =	stream.indirect_vreg.gather [hbm4b:s4+s2], $0x80, v4, vm0, $0xb8;
	[tilespmem:$0x10080] =	vst v63  }
0x11b: {  	_ = 	snop  }
0x11c: {  	[tilespmem:s30], [sflag:$0x1] =	stream.indirect_vreg.gather [hbm4b:s5+s2], $0x80, v4, vm0, $0xb8;
	[tilespmem:$0x10080] =	vst v63  }
0x11d: {  	_ = 	snop  }
0x11e: {  	[tilespmem:s31], [sflag:$0x1] =	stream.indirect_vreg.gather [hbm4b:s6+s2], $0x80, v4, vm0, $0xb8;
	[tilespmem:$0x10080] =	vst v63  }
0x11f: {  	_ = 	snop  }
0x120: {  	[tilespmem:s0], [sflag:$0x1] =	stream.indirect_vreg.gather [hbm4b:s7+s2], $0x80, v4, vm0, $0xb8;
	[tilespmem:$0x10080] =	vst v63  }
0x121: {  	v3 =	vperm.xlane v3, v2  }
0x122: {  	[tilespmem:s1], [sflag:$0x1] =	stream.indirect_vreg.gather [hbm4b:s8+s2], $0x80, v4, vm0, $0xb8;
	[tilespmem:$0x10080] =	vst v63  }
0x123: {  	v3 =	vadd.s32 v1, v3  }
0x124: {  	[tilespmem:s12], [sflag:$0x1] =	stream.indirect_vreg.gather [hbm4b:s9+s2], $0x80, v4, vm0, $0xb8;
	[tilespmem:$0x10080] =	vst v63  }
0x125: {  	_ = 	snop  }
0x126: {  	[tilespmem:s14], [sflag:$0x1] =	stream.indirect_vreg.gather [hbm4b:s10+s2], $0x80, v4, vm0, $0xb8;
	[tilespmem:$0x10080] =	vst v63  }
0x127: {  	_ = 	snop  }
0x128: {  	[tilespmem:s15], [sflag:$0x1] =	stream.indirect_vreg.gather [hbm4b:s3+s2], $0x80, v3, vm0, $0xb8;
	[tilespmem:$0x10080] =	vst v63  }
0x129: {  	_ = 	snop  }
0x12a: {  	[tilespmem:s16], [sflag:$0x1] =	stream.indirect_vreg.gather [hbm4b:s4+s2], $0x80, v3, vm0, $0xb8;
	[tilespmem:$0x10080] =	vst v63  }
0x12b: {  	_ = 	snop  }
0x12c: {  	[tilespmem:s17], [sflag:$0x1] =	stream.indirect_vreg.gather [hbm4b:s5+s2], $0x80, v3, vm0, $0xb8;
	[tilespmem:$0x10080] =	vst v63  }
0x12d: {  	_ = 	snop  }
0x12e: {  	[tilespmem:s18], [sflag:$0x1] =	stream.indirect_vreg.gather [hbm4b:s6+s2], $0x80, v3, vm0, $0xb8;
	[tilespmem:$0x10080] =	vst v63  }
0x12f: {  	_ = 	snop  }
0x130: {  	[tilespmem:s19], [sflag:$0x1] =	stream.indirect_vreg.gather [hbm4b:s7+s2], $0x80, v3, vm0, $0xb8;
	[tilespmem:$0x10080] =	vst v63  }
0x131: {  	_ = 	snop  }
0x132: {  	[tilespmem:s20], [sflag:$0x1] =	stream.indirect_vreg.gather [hbm4b:s8+s2], $0x80, v3, vm0, $0xb8;
	[tilespmem:$0x10080] =	vst v63  }
0x133: {  	_ = 	snop  }
0x134: {  	[tilespmem:s21], [sflag:$0x1] =	stream.indirect_vreg.gather [hbm4b:s9+s2], $0x80, v3, vm0, $0xb8;
	[tilespmem:$0x10080] =	vst v63  }
0x135: {  	_ = 	snop  }
0x136: {  	[tilespmem:s22], [sflag:$0x1] =	stream.indirect_vreg.gather [hbm4b:s10+s2], $0x80, v3, vm0, $0xb8;
	[tilespmem:$0x10080] =	vst v63  }
0x137: {  	v3 =	vld [tilespmem:$0x10030];
	_ =	sdelay $0x4  }
0x138: {  	v63 =	vshll.u32 v3, $0x4  }
0x139: {  	v3 =	vand.u32 $0x7, v3;
	v4 =	vand.u32 $0xFFFFFF80, v63  }
0x13a: {  	v3 =	vor.u32 v3, v4  }
0x13b: {  	v4 =	vperm.xlane v3, v0;
	_ =	sdelay $0x1  }
0x13c: {  	v4 =	vadd.s32 v1, v4;
	_ =	sdelay $0x4  }
0x13d: {  	[tilespmem:s23], [sflag:$0x1] =	stream.indirect_vreg.gather [hbm4b:s3+s2], $0x80, v4, vm0, $0xb8;
	[tilespmem:$0x10080] =	vst v63  }
0x13e: {  	_ = 	snop  }
0x13f: {  	[tilespmem:s24], [sflag:$0x1] =	stream.indirect_vreg.gather [hbm4b:s4+s2], $0x80, v4, vm0, $0xb8;
	[tilespmem:$0x10080] =	vst v63  }
0x140: {  	_ = 	snop  }
0x141: {  	[tilespmem:s28], [sflag:$0x1] =	stream.indirect_vreg.gather [hbm4b:s5+s2], $0x80, v4, vm0, $0xb8;
	[tilespmem:$0x10080] =	vst v63  }
0x142: {  	s26 =	simm.s32 $0x9800  }
0x143: {  	[tilespmem:s26], [sflag:$0x1] =	stream.indirect_vreg.gather [hbm4b:s6+s2], $0x80, v4, vm0, $0xb8;
	[tilespmem:$0x10080] =	vst v63  }
0x144: {  	s26 =	simm.s32 $0xA000  }
0x145: {  	[tilespmem:s26], [sflag:$0x1] =	stream.indirect_vreg.gather [hbm4b:s7+s2], $0x80, v4, vm0, $0xb8;
	[tilespmem:$0x10080] =	vst v63  }
0x146: {  	v3 =	vperm.xlane v3, v2;
	s26 =	simm.s32 $0xA800  }
0x147: {  	[tilespmem:s26], [sflag:$0x1] =	stream.indirect_vreg.gather [hbm4b:s8+s2], $0x80, v4, vm0, $0xb8;
	[tilespmem:$0x10080] =	vst v63  }
0x148: {  	v3 =	vadd.s32 v1, v3;
	s26 =	simm.s32 $0xB000  }
0x149: {  	[tilespmem:s26], [sflag:$0x1] =	stream.indirect_vreg.gather [hbm4b:s9+s2], $0x80, v4, vm0, $0xb8;
	[tilespmem:$0x10080] =	vst v63  }
0x14a: {  	s26 =	simm.s32 $0xB800  }
0x14b: {  	[tilespmem:s26], [sflag:$0x1] =	stream.indirect_vreg.gather [hbm4b:s10+s2], $0x80, v4, vm0, $0xb8;
	[tilespmem:$0x10080] =	vst v63  }
0x14c: {  	s26 =	simm.s32 $0xC000  }
0x14d: {  	[tilespmem:s26], [sflag:$0x1] =	stream.indirect_vreg.gather [hbm4b:s3+s2], $0x80, v3, vm0, $0xb8;
	[tilespmem:$0x10080] =	vst v63  }
0x14e: {  	s26 =	simm.s32 $0xC800  }
0x14f: {  	[tilespmem:s26], [sflag:$0x1] =	stream.indirect_vreg.gather [hbm4b:s4+s2], $0x80, v3, vm0, $0xb8;
	[tilespmem:$0x10080] =	vst v63  }
0x150: {  	s26 =	simm.s32 $0xD000  }
0x151: {  	[tilespmem:s26], [sflag:$0x1] =	stream.indirect_vreg.gather [hbm4b:s5+s2], $0x80, v3, vm0, $0xb8;
	[tilespmem:$0x10080] =	vst v63  }
0x152: {  	s26 =	simm.s32 $0xD800  }
0x153: {  	[tilespmem:s26], [sflag:$0x1] =	stream.indirect_vreg.gather [hbm4b:s6+s2], $0x80, v3, vm0, $0xb8;
	[tilespmem:$0x10080] =	vst v63  }
0x154: {  	s26 =	simm.s32 $0xE000  }
0x155: {  	[tilespmem:s26], [sflag:$0x1] =	stream.indirect_vreg.gather [hbm4b:s7+s2], $0x80, v3, vm0, $0xb8;
	[tilespmem:$0x10080] =	vst v63  }
0x156: {  	s26 =	simm.s32 $0xE800  }
0x157: {  	[tilespmem:s26], [sflag:$0x1] =	stream.indirect_vreg.gather [hbm4b:s8+s2], $0x80, v3, vm0, $0xb8;
	[tilespmem:$0x10080] =	vst v63  }
0x158: {  	s26 =	simm.s32 $0xF000  }
0x159: {  	[tilespmem:s26], [sflag:$0x1] =	stream.indirect_vreg.gather [hbm4b:s9+s2], $0x80, v3, vm0, $0xb8;
	[tilespmem:$0x10080] =	vst v63  }
0x15a: {  	s26 =	simm.s32 $0xF800  }
0x15b: {  	[tilespmem:s26], [sflag:$0x1] =	stream.indirect_vreg.gather [hbm4b:s10+s2], $0x80, v3, vm0, $0xb8;
	[tilespmem:$0x10080] =	vst v63  }
0x15c: {  	_ =	swait.ge [sflag:s25], $0x10000  }
0x15d: {  	p0 =	sne.s32 s11, $0x1;
	[sflag:s25] =	ssyncset.done $0x0  }
.Ltmp0:
0x15e: {  	s0 =	rddreg [dreg:$0x7];
	[sflag:s25] =	ssyncadd.s32 $0xFFFF0000;
	(pc) =	sbr.rel @p0 .LBB2_1-.Ltmp0, $4  }
0x15f: {  	[hbm4b:s0+s2] =	stream.linear.scatter [tilespmem:s2], [sflag:$0x2], $0x10000, $0x38;
	[tilespmem:$0x10080] =	vst v63  }
0x160: {  	_ =	swait.ge [sflag:s13], $0x10000  }
0x161: {  	[sflag:s13] =	ssyncset.done $0x0  }
0x162: {  	s11 =	sadd.s32 $0xFFFFFFFF, s11;
	[sflag:s13] =	ssyncadd.s32 $0xFFFF0000  }
0x163: {  	_ =	sfence.sel $0x180000  }
0x164: {  	[bflag:$0x0] =	sbarrier.arrive $0xFFFF  }
0x165: {  	_ =	strace $0x9000004A  }
0x166: {  	s0 =	stileid.u32;
	[bflag:$0x2] =	sbarrier.arrive $0xFFFF  }
0x167: {  	p0 =	sne.s32 s0, $0x0;
	s0 =	rddreg [dreg:$0x1]  }
0x168: {  	s0 =	sadd.s32 @!p0 $0x100000, s0  }
0x169: {  	[sflag:s0] =	ssyncadd.tile.s32 @!p0 $0x1;
	_ =	shalt  }
.Lfunc_end2:
_tile_overlayer_lowered:
.L_overlay_start_2:
0x16a: {  	(tag) =	ssettag $0x2  }
0x16b: {  	s0 =	rddreg [dreg:$0x0];
	s2 =	stileid.u32  }
0x16c: {  	s1 =	rddreg [dreg:$0x1];
	p0 =	sne.s32 s2, $0x0  }
0x16d: {  	s3 =	rddreg [dreg:$0x2];
	[bflag:$0x3] =	sbarrier.arrive $0xFFFF;
	s2 =	simm.s32 @!p0 $0x1C02  }
0x16e: {  	[timem:s3], [sflag:s2] =	dma.local @!p0 [hbm:s0], s1  }
0x16f: {  	s0 =	simm.s32 @!p0 $0x2  }
0x170: {  	_ =	swait.ge @!p0 [sflag:s0], s1  }
0x171: {  	s1 =	ssub.s32 @!p0 $0x0, s1;
	[sflag:s0] =	ssyncset.done @!p0 $0x0  }
0x172: {  	[sflag:s0] =	ssyncadd.s32 @!p0 s1  }
0x173: {  	[bflag:$0x3] =	sbarrier.arrive $0xFFFF  }
0x174: {  	_ =	shalt  }

// kernel: kernel.9.cloned.1.call-start
scs
__scs_entry_jumppad:
0x0: {  	(pc) =	sbr.rel $0x88, $3  }
0x1: {  	(tag) =	ssettag $0x0;
	lr =	simm.s32 $0x1  }
0x2: {  	[smem:$0x3F9A] =	sst lr;
	_ =	strace $0xD0000000  }
0x3: {  	_ = 	snop  }
0x4: {  	_ = 	snop  }
0x5: {  	_ = 	snop  }
0x6: {  	_ = 	snop  }
0x7: {  	_ = 	snop  }
__scs_overlays_trampoline_lowered:
0x8: {  	[smem:$0x3FA9] =	sst s0  }
0x9: {  	[smem:$0x3FAA] =	sst s1  }
0xa: {  	[smem:$0x3FAB] =	sst s2  }
0xb: {  	[smem:$0x3FAC] =	sst s3  }
0xc: {  	[smem:$0x3FAD] =	sst s4  }
0xd: {  	[smem:$0x3FAE] =	sst s5  }
0xe: {  	[smem:$0x3FAF] =	sst s6  }
0xf: {  	[smem:$0x3FB0] =	sst s7  }
0x10: {  	[smem:$0x3FB1] =	sst s8  }
0x11: {  	[smem:$0x3FB2] =	sst s9;
	s0 =	simm.s32 @!p0 $0x0  }
0x12: {  	s1 =	sld [smem:$0x3F98];
	s0 =	simm.s32 @p0 $0x1  }
0x13: {  	[smem:$0x3FB3] =	sst s0;
	s0 =	simm.s32 @!p1 $0x0  }
0x14: {  	s2 =	sld [smem:$0x3F97];
	s0 =	simm.s32 @p1 $0x1  }
0x15: {  	[smem:$0x3FB4] =	sst s0;
	s0 =	simm.s32 @!p2 $0x0  }
0x16: {  	s3 =	sld [smem:$0x3FDB];
	s0 =	simm.s32 @p2 $0x1  }
0x17: {  	s4 =	simm.s32 $0x1BF5;
	[smem:$0x3FB6] =	sst s0  }
0x18: {  	s0 =	sld [smem:$0x3F99];
	_ =	swait.ge [sflag:s4], $0x0  }
0x19: {  	s7 =	sld [smem:$0x3F9A]  }
0x1a: {  	s8 =	sadd.s32 $0xFFFFE003, lr  }
0x1b: {  	s9 =	sadd.s32 $0xFFFFFEF7, lr;
	s5 =	simm.s32 $0xFFFFFFFF;
	p2 =	slt.u32 s8, $0xFFFFF086  }
0x1c: {  	p1 =	slt.u32 s9, $0xF7A;
	s5 =	simm.s32 @!p2 $0x0  }
0x1d: {  	s5 =	simm.s32 @p1 $0x1;
	p0 =	seq.s32 s7, s2  }
0x1e: {  	s7 =	smul.u32 @!p0 $0xF7A, s2;
	p2 =	seq.s32 @!p0 s5, $0x0  }
0x1f: {  	s9 =	smul.u32 $0xF7A, s1;
	s8 =	simm.s32 @!p0 $0x1BF5;
	p2 =	por !p2, p0  }
0x20: {  	[sflag:s8] =	ssyncset.s32 @!p0 $0xFFFFF086;
	s6 =	sadd.s32 @!p0 s3, s7;
	s7 =	simm.s32 @!p0 $0x108  }
0x21: {  	s3 =	sadd.s32 s3, s9;
	s6 =	sadd.s32 @!p0 $0x88, s6;
	s7 =	simm.s32 @p2 $0x1082  }
0x22: {  	[simem:s7], [sflag:s8] =	dma.local @!p0 [hbm:s6], $0xF7A  }
0x23: {  	s9 =	sor.u32 $0xD0000000, s2;
	s6 =	simm.s32 $0x108;
	_ =	swait.ge @!p0 [sflag:s8], $0x0  }
0x24: {  	s3 =	sadd.s32 $0x88, s3;
	s6 =	simm.s32 @!p1 $0x1082;
	[sflag:s4] =	ssyncset.s32 $0xFFFFF086  }
0x25: {  	[simem:s6], [sflag:s4] =	dma.local [hbm:s3], $0xF7A  }
0x26: {  	[smem:$0x3F9A] =	sst s1;
	(tag) =	ssettag s2;
	_ =	strace s9  }
0x27: {  	s1 =	sld [smem:$0x3FAA]  }
0x28: {  	s2 =	sld [smem:$0x3FAB]  }
0x29: {  	s4 =	sld [smem:$0x3FAD]  }
0x2a: {  	p0 =	seq.s32 s5, $0x0;
	s5 =	sld [smem:$0x3FAE]  }
0x2b: {  	s6 =	sld [smem:$0x3FAF]  }
0x2c: {  	s7 =	sld [smem:$0x3FB0]  }
0x2d: {  	s3 =	simm.s32 $0x108;
	s8 =	sld [smem:$0x3FB1]  }
0x2e: {  	s3 =	simm.s32 @!p0 $0x1082;
	s9 =	sld [smem:$0x3FB2]  }
0x2f: {  	lr =	sadd.s32 s0, s3;
	s0 =	sld [smem:$0x3FA9]  }
0x30: {  	s3 =	sld [smem:$0x3FAC]  }
0x31: {  	[smem:$0x3FB5] =	sst s10  }
0x32: {  	s10 =	sld [smem:$0x3FB3];
	_ =	sdelay $0x3  }
0x33: {  	p0 =	seq.s32 s10, $0x1;
	s10 =	sld [smem:$0x3FB5];
	_ =	sdelay $0x3  }
0x34: {  	[smem:$0x3FB5] =	sst s10  }
0x35: {  	s10 =	sld [smem:$0x3FB4];
	_ =	sdelay $0x3  }
0x36: {  	p1 =	seq.s32 s10, $0x1;
	s10 =	sld [smem:$0x3FB5];
	_ =	sdelay $0x3  }
0x37: {  	[smem:$0x3FB5] =	sst s10  }
0x38: {  	s10 =	sld [smem:$0x3FB6]  }
0x39: {  	_ = 	snop;
	(pc) =	sbr.ind lr, $3  }
0x3a: {  	_ = 	snop  }
0x3b: {  	_ = 	snop  }
0x3c: {  	p2 =	seq.s32 s10, $0x1;
	s10 =	sld [smem:$0x3FB5]  }
0x3d: {  	_ =	shalt  }
0x3e: {  	_ =	shalt  }
0x3f: {  	_ =	shalt  }
0x40: {  	_ =	shalt  }
0x41: {  	_ =	shalt  }
0x42: {  	_ =	shalt  }
0x43: {  	_ =	shalt  }
0x44: {  	_ =	shalt  }
0x45: {  	_ =	shalt  }
0x46: {  	_ =	shalt  }
0x47: {  	_ =	shalt  }
0x48: {  	_ =	shalt  }
0x49: {  	_ =	shalt  }
0x4a: {  	_ =	shalt  }
0x4b: {  	_ =	shalt  }
0x4c: {  	_ =	shalt  }
0x4d: {  	_ =	shalt  }
0x4e: {  	_ =	shalt  }
0x4f: {  	_ =	shalt  }
0x50: {  	_ =	shalt  }
0x51: {  	_ =	shalt  }
0x52: {  	_ =	shalt  }
0x53: {  	_ =	shalt  }
0x54: {  	_ =	shalt  }
0x55: {  	_ =	shalt  }
0x56: {  	_ =	shalt  }
0x57: {  	_ =	shalt  }
0x58: {  	_ =	shalt  }
0x59: {  	_ =	shalt  }
0x5a: {  	_ =	shalt  }
0x5b: {  	_ =	shalt  }
0x5c: {  	_ =	shalt  }
0x5d: {  	_ =	shalt  }
0x5e: {  	_ =	shalt  }
0x5f: {  	_ =	shalt  }
0x60: {  	_ =	shalt  }
0x61: {  	_ =	shalt  }
0x62: {  	_ =	shalt  }
0x63: {  	_ =	shalt  }
0x64: {  	_ =	shalt  }
0x65: {  	_ =	shalt  }
0x66: {  	_ =	shalt  }
0x67: {  	_ =	shalt  }
0x68: {  	_ =	shalt  }
0x69: {  	_ =	shalt  }
0x6a: {  	_ =	shalt  }
0x6b: {  	_ =	shalt  }
0x6c: {  	_ =	shalt  }
0x6d: {  	_ =	shalt  }
0x6e: {  	_ =	shalt  }
0x6f: {  	_ =	shalt  }
0x70: {  	_ =	shalt  }
0x71: {  	_ =	shalt  }
0x72: {  	_ =	shalt  }
0x73: {  	_ =	shalt  }
0x74: {  	_ =	shalt  }
0x75: {  	_ =	shalt  }
0x76: {  	_ =	shalt  }
0x77: {  	_ =	shalt  }
0x78: {  	_ =	shalt  }
0x79: {  	_ =	shalt  }
0x7a: {  	_ =	shalt  }
0x7b: {  	_ =	shalt  }
0x7c: {  	_ =	shalt  }
0x7d: {  	_ =	shalt  }
0x7e: {  	_ =	shalt  }
0x7f: {  	_ =	shalt  }
0x80: {  	_ =	shalt  }
0x81: {  	_ =	shalt  }
0x82: {  	_ =	shalt  }
0x83: {  	_ =	shalt  }
0x84: {  	_ =	shalt  }
0x85: {  	_ =	shalt  }
0x86: {  	_ =	shalt  }
0x87: {  	_ =	shalt  }
.Lfunc_end0:
.L_simem_size_0:
called_computation_lowered:
.L_overlay_start_0:
0x88: {  	s2 =	sld [smem:$0x3FD9]  }
0x89: {  	s3 =	sld [smem:$0x3FFE];
	_ =	sdelay $0x1  }
0x8a: {  	s1 =	srdreg.scid  }
0x8b: {  	s0 =	sand.u32 $0x1, s1  }
0x8c: {  	s17 =	sshll.u32 s0, $0xA;
	s2 =	sadd.s32 s3, s2  }
0x8d: {  	s2 =	sadd.s32 s2, s17  }
0x8e: {  	[smem:$0x3FC1] =	sst s2  }
0x8f: {  	_ = 	snop  }
0x90: {  	s2 =	sld [smem:$0x3FC9];
	(tm) =	ssettm $0x1  }
0x91: {  	s18 =	sld [smem:$0x3FFB];
	_ =	sdelay $0x3  }
0x92: {  	_ =	strace s18  }
0x93: {  	s3 =	sld [smem:$0x3FFC];
	_ =	sdelay $0x3  }
0x94: {  	_ =	strace s3  }
0x95: {  	s3 =	sld [smem:$0x3FFD];
	_ =	sdelay $0x3  }
0x96: {  	_ =	strace s3  }
0x97: {  	_ =	strace $0x8FFFFFFF  }
0x98: {  	s19 =	sld [smem:$0x3FDB];
	_ =	sdelay $0x1  }
0x99: {  	s4 =	simm.s32 $_scs_section_size  }
0x9a: {  	s5 =	simm.s32 $_size__tile_overlayer_lowered;
	s6 =	simm.s32 $_tile_overlayer_lowered  }
0x9b: {  	s22 =	simm.s32 $0x1BFF;
	s21 =	sshll.u32 s6, $0x1;
	s3 =	sadd.s32 s4, s19  }
0x9c: {  	s7 =	simm.s32 $0x0;
	s20 =	sshll.u32 s5, $0x1;
	s5 =	sadd.s32 s21, s3  }
0x9d: {  	[timem:s7], [sflag:s22] =	dma.local [hbm:s5], s20  }
0x9e: {  	_ =	swait.ge [sflag:s22], s20  }
0x9f: {  	s4 =	ssub.s32 $0x0, s20;
	[sflag:s22] =	ssyncset.done $0x0  }
0xa0: {  	[sflag:s22] =	ssyncadd.s32 s4;
	_ =	sdelay $0x1  }
0xa1: {  	s23 =	simm.s32 $0x1B8B  }
0xa2: {  	_ =	swait.ge [sflag:s23], $0x1  }
0xa3: {  	[sflag:s23] =	ssyncset.done $0x0  }
0xa4: {  	s25 =	simm.s32 $0x1B8E;
	s24 =	sld [smem:$0x3FFE];
	[sflag:s23] =	ssyncadd.s32 $0xFFFFFFFF  }
0xa5: {  	s26 =	simm.s32 $execute0_lowered;
	[smem:$0x3FD2] =	sst s25  }
0xa6: {  	s5 =	sshll.u32 s26, $0x1;
	_ =	strace $0x80000046;
	[dreg:$0x1] =	wrdreg $0xFFFFFFFF  }
0xa7: {  	s28 =	simm.s32 $_size_execute0_lowered;
	s3 =	sadd.s32 s3, s5;
	[dreg:$0x0] =	wrdreg $0x0  }
0xa8: {  	s5 =	sshll.u32 s28, $0x1;
	[dreg:$0x2] =	wrdreg s3  }
0xa9: {  	[dreg:$0x3] =	wrdreg s5  }
0xaa: {  	[dreg:$0x4] =	wrdreg $0xC0  }
0xab: {  	_ =	task [dreg:s7], $0x5FFFF  }
0xac: {  	[dreg:$0x1] =	wrdreg $0xFFFFFFFF  }
0xad: {  	[dreg:$0x0] =	wrdreg $0x60  }
0xae: {  	[dreg:$0x2] =	wrdreg s2  }
0xaf: {  	[dreg:$0x3] =	wrdreg s24  }
0xb0: {  	[dreg:$0x4] =	wrdreg $0x9  }
0xb1: {  	_ =	task.clear_ibuf [dreg:s7], $0x5FFFF;
	_ =	strace $0x90000046  }
0xb2: {  	s29 =	simm.s32 $0x9;
	_ =	strace $0x80000048  }
0xb3: {  	_ =	swait.ge [sflag:s29], $0x1  }
0xb4: {  	[sflag:s29] =	ssyncadd.s32 $0xFFFFFFFF  }
0xb5: {  	_ =	strace $0x90000048  }
0xb6: {  	_ =	sfence  }
0xb7: {  	s30 =	sld [smem:$0x0];
	_ =	sdelay $0x2  }
0xb8: {  	s31 =	sshll.u32 s1, $0xD;
	s1 =	sshrl.u32 s1, $0x2  }
0xb9: {  	s3 =	sand.u32 $0x4000, s31;
	s1 =	sadd.s32 s1, s30  }
0xba: {  	s0 =	sor.u32 s3, s0;
	s1 =	sshll.u32 s1, $0x11  }
0xbb: {  	s0 =	sor.u32 s1, s0  }
0xbc: {  	s0 =	sadd.s32 $0x8F2B, s0  }
0xbd: {  	[sflag:s0] =	ssyncadd.remote.s32 $0x1  }
0xbe: {  	_ =	sfence.sel $0xFFFF  }
0xbf: {  	[dreg:$0x0] =	wrdreg $0xFFFFFFFF;
	(pc) =	sbr.abs _section_cstart, $3  }
0xc0: {  	[dreg:$0x1] =	wrdreg $0xFFFFFFFF  }
0xc1: {  	_ =	task.clear_ibuf [dreg:s7], $0x2FFFF;
	_ =	strace $0x9FFFFFFF  }
0xc2: {  	(tm) =	ssettm $0x7FFFFFFF  }
0xc3: {  	_ =	shalt  }
tec
execute0_lowered:
.L_overlay_start_1:
0x0: {  	(tag) =	ssettag $0x1  }
0x1: {  	s0 =	rddreg [dreg:$0x0]  }
0x2: {  	s1 =	rddreg [dreg:$0x1];
	s2 =	simm.s32 $0x0;
	s8 =	stileid.u32  }
0x3: {  	s3 =	srdreg.scid;
	s28 =	simm.s32 $0x10000;
	s13 =	simm.s32 $0x2  }
0x4: {  	s29 =	simm.s32 $0x1000;
	s30 =	simm.s32 $0x1800;
	s31 =	simm.s32 $0x2000  }
0x5: {  	s14 =	simm.s32 $0x4000;
	s15 =	simm.s32 $0x4800;
	s16 =	simm.s32 $0x5000  }
0x6: {  	s17 =	simm.s32 $0x5800;
	s18 =	simm.s32 $0x6000;
	s19 =	simm.s32 $0x6800  }
0x7: {  	s20 =	simm.s32 $0x7000;
	s21 =	simm.s32 $0x7800;
	s22 =	simm.s32 $0x8000  }
0x8: {  	[smem:$0x7FF] =	sst s2;
	s4 =	sshll.u32 s8, $0x6;
	s3 =	sand.u32 $0x1, s3  }
0x9: {  	s23 =	sshll.u32 s8, $0xF;
	s8 =	sadd.s32 $0x1C00, s1;
	s9 =	sadd.s32 $0x1D00, s1  }
0xa: {  	s10 =	sadd.s32 $0x1E00, s1;
	s11 =	sadd.s32 $0x1F00, s1;
	_ =	strace $0x80000047  }
0xb: {  	s4 =	sadd.s32 s4, s1;
	s5 =	ssub.s32 $0x2, s3;
	s6 =	sshll.u32 s3, $0xA  }
0xc: {  	s3 =	sadd.s32 $0x1800, s1;
	s24 =	sadd.s32 s0, s23;
	[dreg:$0x7] =	wrdreg s28  }
0xd: {  	s23 =	simm.s32 $0x8800;
	s7 =	sshrl.u32 s5, $0x1;
	s4 =	sadd.s32 s6, s4  }
0xe: {  	s6 =	sadd.s32 $0x1A00, s1;
	s0 =	sadd.s32 $0x2000, s24;
	s25 =	sadd.s32 $0x4000, s24  }
0xf: {  	[dreg:$0x8] =	wrdreg s24;
	s26 =	sadd.s32 $0x6000, s24;
	s24 =	simm.s32 $0x9000  }
0x10: {  	s12 =	ssub.s32 s5, s7;
	s4 =	sadd.s32 $0x1000, s4;
	[dreg:$0x4] =	wrdreg s0  }
0x11: {  	v2 =	vlaneseq.u32;
	s5 =	sadd.s32 $0x1900, s1;
	s7 =	sadd.s32 $0x1B00, s1;
	[dreg:$0x5] =	wrdreg s25  }
0x12: {  	vm0 =	vmmov $0xffff;
	v1 =	vshrl.u32 v2, $0x3;
	[dreg:$0x6] =	wrdreg s26;
	s25 =	simm.s32 $0x1;
	s1 =	simm.s32 $0x3000  }
0x13: {  	v0 =	vand.u32 $0x7, v2;
	v2 =	vor.u32 $0x8, v2;
	v1 =	vmul.u32 $0x8, v1;
	[dreg:$0x3] =	wrdreg s4;
	s12 =	smax.u32 s12, $0x1;
	s4 =	simm.s32 $0x3800  }
.LBB2_1:
0x14: {  	s26 =	rddreg [dreg:$0x3]  }
0x15: {  	s28 =	rddreg [dreg:$0x7]  }
0x16: {  	[tilespmem:s28], [sflag:$0x2] =	stream.linear.gather [hbm4b:s26+s2], $0x200, $0x38;
	[tilespmem:$0x10200] =	vst v63  }
0x17: {  	_ =	swait.ge [sflag:s13], $0x200  }
0x18: {  	[sflag:s13] =	ssyncset.done $0x0  }
0x19: {  	s0 =	rddreg [dreg:$0x8];
	[sflag:s13] =	ssyncadd.s32 $0xFFFFFE00  }
0x1a: {  	[tilespmem:s2], [sflag:$0x2] =	stream.linear.gather [hbm4b:s0+s2], $0x10000, $0x38;
	[tilespmem:$0x10200] =	vst v63  }
0x1b: {  	_ =	swait.ge [sflag:s13], $0x10000  }
0x1c: {  	[sflag:s13] =	ssyncset.done $0x0  }
0x1d: {  	[sflag:s13] =	ssyncadd.s32 $0xFFFF0000  }
0x1e: {  	v3 =	vld [tilespmem:$0x10000];
	_ =	sdelay $0x4  }
0x1f: {  	v4 =	vshll.u32 v3, $0x4  }
0x20: {  	v3 =	vand.u32 $0x7, v3;
	v4 =	vand.u32 $0xFFFFFF80, v4  }
0x21: {  	v3 =	vor.u32 v3, v4  }
0x22: {  	v4 =	vperm.xlane v3, v0;
	_ =	sdelay $0x1  }
0x23: {  	v4 =	vadd.s32 v1, v4;
	_ =	sdelay $0x4  }
0x24: {  	[hbm4b:s3+s2] =	stream.indirect_vreg.scatter [tilespmem:s2], [sflag:$0x1], $0x80, v4, vm0, $0xb8;
	[tilespmem:$0x10200] =	vst v63  }
0x25: {  	s28 =	simm.s32 $0x800  }
0x26: {  	[hbm4b:s5+s2] =	stream.indirect_vreg.scatter [tilespmem:s28], [sflag:$0x1], $0x80, v4, vm0, $0xb8;
	[tilespmem:$0x10200] =	vst v63  }
0x27: {  	_ = 	snop  }
0x28: {  	[hbm4b:s6+s2] =	stream.indirect_vreg.scatter [tilespmem:s29], [sflag:$0x1], $0x80, v4, vm0, $0xb8;
	[tilespmem:$0x10200] =	vst v63  }
0x29: {  	_ = 	snop  }
0x2a: {  	[hbm4b:s7+s2] =	stream.indirect_vreg.scatter [tilespmem:s30], [sflag:$0x1], $0x80, v4, vm0, $0xb8;
	[tilespmem:$0x10200] =	vst v63  }
0x2b: {  	_ = 	snop  }
0x2c: {  	[hbm4b:s8+s2] =	stream.indirect_vreg.scatter [tilespmem:s31], [sflag:$0x1], $0x80, v4, vm0, $0xb8;
	[tilespmem:$0x10200] =	vst v63  }
0x2d: {  	s0 =	simm.s32 $0x2800;
	v3 =	vperm.xlane v3, v2  }
0x2e: {  	[hbm4b:s9+s2] =	stream.indirect_vreg.scatter [tilespmem:s0], [sflag:$0x1], $0x80, v4, vm0, $0xb8;
	[tilespmem:$0x10200] =	vst v63  }
0x2f: {  	v3 =	vadd.s32 v1, v3  }
0x30: {  	[hbm4b:s10+s2] =	stream.indirect_vreg.scatter [tilespmem:s1], [sflag:$0x1], $0x80, v4, vm0, $0xb8;
	[tilespmem:$0x10200] =	vst v63  }
0x31: {  	_ = 	snop  }
0x32: {  	[hbm4b:s11+s2] =	stream.indirect_vreg.scatter [tilespmem:s4], [sflag:$0x1], $0x80, v4, vm0, $0xb8;
	[tilespmem:$0x10200] =	vst v63  }
0x33: {  	_ = 	snop  }
0x34: {  	[hbm4b:s3+s2] =	stream.indirect_vreg.scatter [tilespmem:s14], [sflag:$0x1], $0x80, v3, vm0, $0xb8;
	[tilespmem:$0x10200] =	vst v63  }
0x35: {  	_ = 	snop  }
0x36: {  	[hbm4b:s5+s2] =	stream.indirect_vreg.scatter [tilespmem:s15], [sflag:$0x1], $0x80, v3, vm0, $0xb8;
	[tilespmem:$0x10200] =	vst v63  }
0x37: {  	_ = 	snop  }
0x38: {  	[hbm4b:s6+s2] =	stream.indirect_vreg.scatter [tilespmem:s16], [sflag:$0x1], $0x80, v3, vm0, $0xb8;
	[tilespmem:$0x10200] =	vst v63  }
0x39: {  	_ = 	snop  }
0x3a: {  	[hbm4b:s7+s2] =	stream.indirect_vreg.scatter [tilespmem:s17], [sflag:$0x1], $0x80, v3, vm0, $0xb8;
	[tilespmem:$0x10200] =	vst v63  }
0x3b: {  	_ = 	snop  }
0x3c: {  	[hbm4b:s8+s2] =	stream.indirect_vreg.scatter [tilespmem:s18], [sflag:$0x1], $0x80, v3, vm0, $0xb8;
	[tilespmem:$0x10200] =	vst v63  }
0x3d: {  	_ = 	snop  }
0x3e: {  	[hbm4b:s9+s2] =	stream.indirect_vreg.scatter [tilespmem:s19], [sflag:$0x1], $0x80, v3, vm0, $0xb8;
	[tilespmem:$0x10200] =	vst v63  }
0x3f: {  	_ = 	snop  }
0x40: {  	[hbm4b:s10+s2] =	stream.indirect_vreg.scatter [tilespmem:s20], [sflag:$0x1], $0x80, v3, vm0, $0xb8;
	[tilespmem:$0x10200] =	vst v63  }
0x41: {  	_ = 	snop  }
0x42: {  	[hbm4b:s11+s2] =	stream.indirect_vreg.scatter [tilespmem:s21], [sflag:$0x1], $0x80, v3, vm0, $0xb8;
	[tilespmem:$0x10200] =	vst v63  }
0x43: {  	v3 =	vld [tilespmem:$0x10010];
	_ =	sdelay $0x4  }
0x44: {  	v57 =	vshll.u32 v3, $0x4  }
0x45: {  	v3 =	vand.u32 $0x7, v3;
	v4 =	vand.u32 $0xFFFFFF80, v57  }
0x46: {  	v3 =	vor.u32 v3, v4  }
0x47: {  	v4 =	vperm.xlane v3, v0;
	_ =	sdelay $0x1  }
0x48: {  	v4 =	vadd.s32 v1, v4;
	_ =	sdelay $0x4  }
0x49: {  	[hbm4b:s3+s2] =	stream.indirect_vreg.scatter [tilespmem:s22], [sflag:$0x1], $0x80, v4, vm0, $0xb8;
	[tilespmem:$0x10200] =	vst v63  }
0x4a: {  	_ = 	snop  }
0x4b: {  	[hbm4b:s5+s2] =	stream.indirect_vreg.scatter [tilespmem:s23], [sflag:$0x1], $0x80, v4, vm0, $0xb8;
	[tilespmem:$0x10200] =	vst v63  }
0x4c: {  	_ = 	snop  }
0x4d: {  	[hbm4b:s6+s2] =	stream.indirect_vreg.scatter [tilespmem:s24], [sflag:$0x1], $0x80, v4, vm0, $0xb8;
	[tilespmem:$0x10200] =	vst v63  }
0x4e: {  	s26 =	simm.s32 $0x9800  }
0x4f: {  	[hbm4b:s7+s2] =	stream.indirect_vreg.scatter [tilespmem:s26], [sflag:$0x1], $0x80, v4, vm0, $0xb8;
	[tilespmem:$0x10200] =	vst v63  }
0x50: {  	s26 =	simm.s32 $0xA000  }
0x51: {  	[hbm4b:s8+s2] =	stream.indirect_vreg.scatter [tilespmem:s26], [sflag:$0x1], $0x80, v4, vm0, $0xb8;
	[tilespmem:$0x10200] =	vst v63  }
0x52: {  	v3 =	vperm.xlane v3, v2;
	s26 =	simm.s32 $0xA800  }
0x53: {  	[hbm4b:s9+s2] =	stream.indirect_vreg.scatter [tilespmem:s26], [sflag:$0x1], $0x80, v4, vm0, $0xb8;
	[tilespmem:$0x10200] =	vst v63  }
0x54: {  	v3 =	vadd.s32 v1, v3;
	s26 =	simm.s32 $0xB000  }
0x55: {  	[hbm4b:s10+s2] =	stream.indirect_vreg.scatter [tilespmem:s26], [sflag:$0x1], $0x80, v4, vm0, $0xb8;
	[tilespmem:$0x10200] =	vst v63  }
0x56: {  	s26 =	simm.s32 $0xB800  }
0x57: {  	[hbm4b:s11+s2] =	stream.indirect_vreg.scatter [tilespmem:s26], [sflag:$0x1], $0x80, v4, vm0, $0xb8;
	[tilespmem:$0x10200] =	vst v63  }
0x58: {  	s26 =	simm.s32 $0xC000  }
0x59: {  	[hbm4b:s3+s2] =	stream.indirect_vreg.scatter [tilespmem:s26], [sflag:$0x1], $0x80, v3, vm0, $0xb8;
	[tilespmem:$0x10200] =	vst v63  }
0x5a: {  	s26 =	simm.s32 $0xC800  }
0x5b: {  	[hbm4b:s5+s2] =	stream.indirect_vreg.scatter [tilespmem:s26], [sflag:$0x1], $0x80, v3, vm0, $0xb8;
	[tilespmem:$0x10200] =	vst v63  }
0x5c: {  	s26 =	simm.s32 $0xD000  }
0x5d: {  	[hbm4b:s6+s2] =	stream.indirect_vreg.scatter [tilespmem:s26], [sflag:$0x1], $0x80, v3, vm0, $0xb8;
	[tilespmem:$0x10200] =	vst v63  }
0x5e: {  	s26 =	simm.s32 $0xD800  }
0x5f: {  	[hbm4b:s7+s2] =	stream.indirect_vreg.scatter [tilespmem:s26], [sflag:$0x1], $0x80, v3, vm0, $0xb8;
	[tilespmem:$0x10200] =	vst v63  }
0x60: {  	s26 =	simm.s32 $0xE000  }
0x61: {  	[hbm4b:s8+s2] =	stream.indirect_vreg.scatter [tilespmem:s26], [sflag:$0x1], $0x80, v3, vm0, $0xb8;
	[tilespmem:$0x10200] =	vst v63  }
0x62: {  	s26 =	simm.s32 $0xE800  }
0x63: {  	[hbm4b:s9+s2] =	stream.indirect_vreg.scatter [tilespmem:s26], [sflag:$0x1], $0x80, v3, vm0, $0xb8;
	[tilespmem:$0x10200] =	vst v63  }
0x64: {  	s26 =	simm.s32 $0xF000  }
0x65: {  	[hbm4b:s10+s2] =	stream.indirect_vreg.scatter [tilespmem:s26], [sflag:$0x1], $0x80, v3, vm0, $0xb8;
	[tilespmem:$0x10200] =	vst v63  }
0x66: {  	s26 =	simm.s32 $0xF800  }
0x67: {  	[hbm4b:s11+s2] =	stream.indirect_vreg.scatter [tilespmem:s26], [sflag:$0x1], $0x80, v3, vm0, $0xb8;
	[tilespmem:$0x10200] =	vst v63  }
0x68: {  	_ =	swait.ge [sflag:s25], $0x10000  }
0x69: {  	[sflag:s25] =	ssyncset.done $0x0  }
0x6a: {  	s26 =	rddreg [dreg:$0x4];
	[sflag:s25] =	ssyncadd.s32 $0xFFFF0000  }
0x6b: {  	[tilespmem:s2], [sflag:$0x2] =	stream.linear.gather [hbm4b:s26+s2], $0x10000, $0x38;
	[tilespmem:$0x10200] =	vst v63  }
0x6c: {  	_ =	swait.ge [sflag:s13], $0x10000  }
0x6d: {  	[sflag:s13] =	ssyncset.done $0x0  }
0x6e: {  	[sflag:s13] =	ssyncadd.s32 $0xFFFF0000  }
0x6f: {  	v3 =	vld [tilespmem:$0x10080];
	_ =	sdelay $0x4  }
0x70: {  	v58 =	vshll.u32 v3, $0x4  }
0x71: {  	v3 =	vand.u32 $0x7, v3;
	v4 =	vand.u32 $0xFFFFFF80, v58  }
0x72: {  	v3 =	vor.u32 v3, v4  }
0x73: {  	v4 =	vperm.xlane v3, v0;
	_ =	sdelay $0x1  }
0x74: {  	v4 =	vadd.s32 v1, v4;
	_ =	sdelay $0x4  }
0x75: {  	[hbm4b:s3+s2] =	stream.indirect_vreg.scatter [tilespmem:s2], [sflag:$0x1], $0x80, v4, vm0, $0xb8;
	[tilespmem:$0x10200] =	vst v63  }
0x76: {  	_ = 	snop  }
0x77: {  	[hbm4b:s5+s2] =	stream.indirect_vreg.scatter [tilespmem:s28], [sflag:$0x1], $0x80, v4, vm0, $0xb8;
	[tilespmem:$0x10200] =	vst v63  }
0x78: {  	_ = 	snop  }
0x79: {  	[hbm4b:s6+s2] =	stream.indirect_vreg.scatter [tilespmem:s29], [sflag:$0x1], $0x80, v4, vm0, $0xb8;
	[tilespmem:$0x10200] =	vst v63  }
0x7a: {  	_ = 	snop  }
0x7b: {  	[hbm4b:s7+s2] =	stream.indirect_vreg.scatter [tilespmem:s30], [sflag:$0x1], $0x80, v4, vm0, $0xb8;
	[tilespmem:$0x10200] =	vst v63  }
0x7c: {  	_ = 	snop  }
0x7d: {  	[hbm4b:s8+s2] =	stream.indirect_vreg.scatter [tilespmem:s31], [sflag:$0x1], $0x80, v4, vm0, $0xb8;
	[tilespmem:$0x10200] =	vst v63  }
0x7e: {  	v3 =	vperm.xlane v3, v2  }
0x7f: {  	[hbm4b:s9+s2] =	stream.indirect_vreg.scatter [tilespmem:s0], [sflag:$0x1], $0x80, v4, vm0, $0xb8;
	[tilespmem:$0x10200] =	vst v63  }
0x80: {  	v3 =	vadd.s32 v1, v3  }
0x81: {  	[hbm4b:s10+s2] =	stream.indirect_vreg.scatter [tilespmem:s1], [sflag:$0x1], $0x80, v4, vm0, $0xb8;
	[tilespmem:$0x10200] =	vst v63  }
0x82: {  	_ = 	snop  }
0x83: {  	[hbm4b:s11+s2] =	stream.indirect_vreg.scatter [tilespmem:s4], [sflag:$0x1], $0x80, v4, vm0, $0xb8;
	[tilespmem:$0x10200] =	vst v63  }
0x84: {  	_ = 	snop  }
0x85: {  	[hbm4b:s3+s2] =	stream.indirect_vreg.scatter [tilespmem:s14], [sflag:$0x1], $0x80, v3, vm0, $0xb8;
	[tilespmem:$0x10200] =	vst v63  }
0x86: {  	_ = 	snop  }
0x87: {  	[hbm4b:s5+s2] =	stream.indirect_vreg.scatter [tilespmem:s15], [sflag:$0x1], $0x80, v3, vm0, $0xb8;
	[tilespmem:$0x10200] =	vst v63  }
0x88: {  	_ = 	snop  }
0x89: {  	[hbm4b:s6+s2] =	stream.indirect_vreg.scatter [tilespmem:s16], [sflag:$0x1], $0x80, v3, vm0, $0xb8;
	[tilespmem:$0x10200] =	vst v63  }
0x8a: {  	_ = 	snop  }
0x8b: {  	[hbm4b:s7+s2] =	stream.indirect_vreg.scatter [tilespmem:s17], [sflag:$0x1], $0x80, v3, vm0, $0xb8;
	[tilespmem:$0x10200] =	vst v63  }
0x8c: {  	_ = 	snop  }
0x8d: {  	[hbm4b:s8+s2] =	stream.indirect_vreg.scatter [tilespmem:s18], [sflag:$0x1], $0x80, v3, vm0, $0xb8;
	[tilespmem:$0x10200] =	vst v63  }
0x8e: {  	_ = 	snop  }
0x8f: {  	[hbm4b:s9+s2] =	stream.indirect_vreg.scatter [tilespmem:s19], [sflag:$0x1], $0x80, v3, vm0, $0xb8;
	[tilespmem:$0x10200] =	vst v63  }
0x90: {  	_ = 	snop  }
0x91: {  	[hbm4b:s10+s2] =	stream.indirect_vreg.scatter [tilespmem:s20], [sflag:$0x1], $0x80, v3, vm0, $0xb8;
	[tilespmem:$0x10200] =	vst v63  }
0x92: {  	_ = 	snop  }
0x93: {  	[hbm4b:s11+s2] =	stream.indirect_vreg.scatter [tilespmem:s21], [sflag:$0x1], $0x80, v3, vm0, $0xb8;
	[tilespmem:$0x10200] =	vst v63  }
0x94: {  	v3 =	vld [tilespmem:$0x10090];
	_ =	sdelay $0x4  }
0x95: {  	v59 =	vshll.u32 v3, $0x4  }
0x96: {  	v3 =	vand.u32 $0x7, v3;
	v4 =	vand.u32 $0xFFFFFF80, v59  }
0x97: {  	v3 =	vor.u32 v3, v4  }
0x98: {  	v4 =	vperm.xlane v3, v0;
	_ =	sdelay $0x1  }
0x99: {  	v4 =	vadd.s32 v1, v4;
	_ =	sdelay $0x4  }
0x9a: {  	[hbm4b:s3+s2] =	stream.indirect_vreg.scatter [tilespmem:s22], [sflag:$0x1], $0x80, v4, vm0, $0xb8;
	[tilespmem:$0x10200] =	vst v63  }
0x9b: {  	_ = 	snop  }
0x9c: {  	[hbm4b:s5+s2] =	stream.indirect_vreg.scatter [tilespmem:s23], [sflag:$0x1], $0x80, v4, vm0, $0xb8;
	[tilespmem:$0x10200] =	vst v63  }
0x9d: {  	_ = 	snop  }
0x9e: {  	[hbm4b:s6+s2] =	stream.indirect_vreg.scatter [tilespmem:s24], [sflag:$0x1], $0x80, v4, vm0, $0xb8;
	[tilespmem:$0x10200] =	vst v63  }
0x9f: {  	s26 =	simm.s32 $0x9800  }
0xa0: {  	[hbm4b:s7+s2] =	stream.indirect_vreg.scatter [tilespmem:s26], [sflag:$0x1], $0x80, v4, vm0, $0xb8;
	[tilespmem:$0x10200] =	vst v63  }
0xa1: {  	s26 =	simm.s32 $0xA000  }
0xa2: {  	[hbm4b:s8+s2] =	stream.indirect_vreg.scatter [tilespmem:s26], [sflag:$0x1], $0x80, v4, vm0, $0xb8;
	[tilespmem:$0x10200] =	vst v63  }
0xa3: {  	v3 =	vperm.xlane v3, v2;
	s26 =	simm.s32 $0xA800  }
0xa4: {  	[hbm4b:s9+s2] =	stream.indirect_vreg.scatter [tilespmem:s26], [sflag:$0x1], $0x80, v4, vm0, $0xb8;
	[tilespmem:$0x10200] =	vst v63  }
0xa5: {  	v3 =	vadd.s32 v1, v3;
	s26 =	simm.s32 $0xB000  }
0xa6: {  	[hbm4b:s10+s2] =	stream.indirect_vreg.scatter [tilespmem:s26], [sflag:$0x1], $0x80, v4, vm0, $0xb8;
	[tilespmem:$0x10200] =	vst v63  }
0xa7: {  	s26 =	simm.s32 $0xB800  }
0xa8: {  	[hbm4b:s11+s2] =	stream.indirect_vreg.scatter [tilespmem:s26], [sflag:$0x1], $0x80, v4, vm0, $0xb8;
	[tilespmem:$0x10200] =	vst v63  }
0xa9: {  	s26 =	simm.s32 $0xC000  }
0xaa: {  	[hbm4b:s3+s2] =	stream.indirect_vreg.scatter [tilespmem:s26], [sflag:$0x1], $0x80, v3, vm0, $0xb8;
	[tilespmem:$0x10200] =	vst v63  }
0xab: {  	s26 =	simm.s32 $0xC800  }
0xac: {  	[hbm4b:s5+s2] =	stream.indirect_vreg.scatter [tilespmem:s26], [sflag:$0x1], $0x80, v3, vm0, $0xb8;
	[tilespmem:$0x10200] =	vst v63  }
0xad: {  	s26 =	simm.s32 $0xD000  }
0xae: {  	[hbm4b:s6+s2] =	stream.indirect_vreg.scatter [tilespmem:s26], [sflag:$0x1], $0x80, v3, vm0, $0xb8;
	[tilespmem:$0x10200] =	vst v63  }
0xaf: {  	s26 =	simm.s32 $0xD800  }
0xb0: {  	[hbm4b:s7+s2] =	stream.indirect_vreg.scatter [tilespmem:s26], [sflag:$0x1], $0x80, v3, vm0, $0xb8;
	[tilespmem:$0x10200] =	vst v63  }
0xb1: {  	s26 =	simm.s32 $0xE000  }
0xb2: {  	[hbm4b:s8+s2] =	stream.indirect_vreg.scatter [tilespmem:s26], [sflag:$0x1], $0x80, v3, vm0, $0xb8;
	[tilespmem:$0x10200] =	vst v63  }
0xb3: {  	s26 =	simm.s32 $0xE800  }
0xb4: {  	[hbm4b:s9+s2] =	stream.indirect_vreg.scatter [tilespmem:s26], [sflag:$0x1], $0x80, v3, vm0, $0xb8;
	[tilespmem:$0x10200] =	vst v63  }
0xb5: {  	s26 =	simm.s32 $0xF000  }
0xb6: {  	[hbm4b:s10+s2] =	stream.indirect_vreg.scatter [tilespmem:s26], [sflag:$0x1], $0x80, v3, vm0, $0xb8;
	[tilespmem:$0x10200] =	vst v63  }
0xb7: {  	s26 =	simm.s32 $0xF800  }
0xb8: {  	[hbm4b:s11+s2] =	stream.indirect_vreg.scatter [tilespmem:s26], [sflag:$0x1], $0x80, v3, vm0, $0xb8;
	[tilespmem:$0x10200] =	vst v63  }
0xb9: {  	_ =	swait.ge [sflag:s25], $0x10000  }
0xba: {  	[sflag:s25] =	ssyncset.done $0x0  }
0xbb: {  	s26 =	rddreg [dreg:$0x5];
	[sflag:s25] =	ssyncadd.s32 $0xFFFF0000  }
0xbc: {  	[tilespmem:s2], [sflag:$0x2] =	stream.linear.gather [hbm4b:s26+s2], $0x10000, $0x38;
	[tilespmem:$0x10200] =	vst v63  }
0xbd: {  	_ =	swait.ge [sflag:s13], $0x10000  }
0xbe: {  	[sflag:s13] =	ssyncset.done $0x0  }
0xbf: {  	[sflag:s13] =	ssyncadd.s32 $0xFFFF0000  }
0xc0: {  	v3 =	vld [tilespmem:$0x10100];
	_ =	sdelay $0x4  }
0xc1: {  	v60 =	vshll.u32 v3, $0x4  }
0xc2: {  	v3 =	vand.u32 $0x7, v3;
	v4 =	vand.u32 $0xFFFFFF80, v60  }
0xc3: {  	v3 =	vor.u32 v3, v4  }
0xc4: {  	v4 =	vperm.xlane v3, v0;
	_ =	sdelay $0x1  }
0xc5: {  	v4 =	vadd.s32 v1, v4;
	_ =	sdelay $0x4  }
0xc6: {  	[hbm4b:s3+s2] =	stream.indirect_vreg.scatter [tilespmem:s2], [sflag:$0x1], $0x80, v4, vm0, $0xb8;
	[tilespmem:$0x10200] =	vst v63  }
0xc7: {  	_ = 	snop  }
0xc8: {  	[hbm4b:s5+s2] =	stream.indirect_vreg.scatter [tilespmem:s28], [sflag:$0x1], $0x80, v4, vm0, $0xb8;
	[tilespmem:$0x10200] =	vst v63  }
0xc9: {  	_ = 	snop  }
0xca: {  	[hbm4b:s6+s2] =	stream.indirect_vreg.scatter [tilespmem:s29], [sflag:$0x1], $0x80, v4, vm0, $0xb8;
	[tilespmem:$0x10200] =	vst v63  }
0xcb: {  	_ = 	snop  }
0xcc: {  	[hbm4b:s7+s2] =	stream.indirect_vreg.scatter [tilespmem:s30], [sflag:$0x1], $0x80, v4, vm0, $0xb8;
	[tilespmem:$0x10200] =	vst v63  }
0xcd: {  	_ = 	snop  }
0xce: {  	[hbm4b:s8+s2] =	stream.indirect_vreg.scatter [tilespmem:s31], [sflag:$0x1], $0x80, v4, vm0, $0xb8;
	[tilespmem:$0x10200] =	vst v63  }
0xcf: {  	v3 =	vperm.xlane v3, v2  }
0xd0: {  	[hbm4b:s9+s2] =	stream.indirect_vreg.scatter [tilespmem:s0], [sflag:$0x1], $0x80, v4, vm0, $0xb8;
	[tilespmem:$0x10200] =	vst v63  }
0xd1: {  	v3 =	vadd.s32 v1, v3  }
0xd2: {  	[hbm4b:s10+s2] =	stream.indirect_vreg.scatter [tilespmem:s1], [sflag:$0x1], $0x80, v4, vm0, $0xb8;
	[tilespmem:$0x10200] =	vst v63  }
0xd3: {  	_ = 	snop  }
0xd4: {  	[hbm4b:s11+s2] =	stream.indirect_vreg.scatter [tilespmem:s4], [sflag:$0x1], $0x80, v4, vm0, $0xb8;
	[tilespmem:$0x10200] =	vst v63  }
0xd5: {  	_ = 	snop  }
0xd6: {  	[hbm4b:s3+s2] =	stream.indirect_vreg.scatter [tilespmem:s14], [sflag:$0x1], $0x80, v3, vm0, $0xb8;
	[tilespmem:$0x10200] =	vst v63  }
0xd7: {  	_ = 	snop  }
0xd8: {  	[hbm4b:s5+s2] =	stream.indirect_vreg.scatter [tilespmem:s15], [sflag:$0x1], $0x80, v3, vm0, $0xb8;
	[tilespmem:$0x10200] =	vst v63  }
0xd9: {  	_ = 	snop  }
0xda: {  	[hbm4b:s6+s2] =	stream.indirect_vreg.scatter [tilespmem:s16], [sflag:$0x1], $0x80, v3, vm0, $0xb8;
	[tilespmem:$0x10200] =	vst v63  }
0xdb: {  	_ = 	snop  }
0xdc: {  	[hbm4b:s7+s2] =	stream.indirect_vreg.scatter [tilespmem:s17], [sflag:$0x1], $0x80, v3, vm0, $0xb8;
	[tilespmem:$0x10200] =	vst v63  }
0xdd: {  	_ = 	snop  }
0xde: {  	[hbm4b:s8+s2] =	stream.indirect_vreg.scatter [tilespmem:s18], [sflag:$0x1], $0x80, v3, vm0, $0xb8;
	[tilespmem:$0x10200] =	vst v63  }
0xdf: {  	_ = 	snop  }
0xe0: {  	[hbm4b:s9+s2] =	stream.indirect_vreg.scatter [tilespmem:s19], [sflag:$0x1], $0x80, v3, vm0, $0xb8;
	[tilespmem:$0x10200] =	vst v63  }
0xe1: {  	_ = 	snop  }
0xe2: {  	[hbm4b:s10+s2] =	stream.indirect_vreg.scatter [tilespmem:s20], [sflag:$0x1], $0x80, v3, vm0, $0xb8;
	[tilespmem:$0x10200] =	vst v63  }
0xe3: {  	_ = 	snop  }
0xe4: {  	[hbm4b:s11+s2] =	stream.indirect_vreg.scatter [tilespmem:s21], [sflag:$0x1], $0x80, v3, vm0, $0xb8;
	[tilespmem:$0x10200] =	vst v63  }
0xe5: {  	v3 =	vld [tilespmem:$0x10110];
	_ =	sdelay $0x4  }
0xe6: {  	v61 =	vshll.u32 v3, $0x4  }
0xe7: {  	v3 =	vand.u32 $0x7, v3;
	v4 =	vand.u32 $0xFFFFFF80, v61  }
0xe8: {  	v3 =	vor.u32 v3, v4  }
0xe9: {  	v4 =	vperm.xlane v3, v0;
	_ =	sdelay $0x1  }
0xea: {  	v4 =	vadd.s32 v1, v4;
	_ =	sdelay $0x4  }
0xeb: {  	[hbm4b:s3+s2] =	stream.indirect_vreg.scatter [tilespmem:s22], [sflag:$0x1], $0x80, v4, vm0, $0xb8;
	[tilespmem:$0x10200] =	vst v63  }
0xec: {  	_ = 	snop  }
0xed: {  	[hbm4b:s5+s2] =	stream.indirect_vreg.scatter [tilespmem:s23], [sflag:$0x1], $0x80, v4, vm0, $0xb8;
	[tilespmem:$0x10200] =	vst v63  }
0xee: {  	_ = 	snop  }
0xef: {  	[hbm4b:s6+s2] =	stream.indirect_vreg.scatter [tilespmem:s24], [sflag:$0x1], $0x80, v4, vm0, $0xb8;
	[tilespmem:$0x10200] =	vst v63  }
0xf0: {  	s26 =	simm.s32 $0x9800  }
0xf1: {  	[hbm4b:s7+s2] =	stream.indirect_vreg.scatter [tilespmem:s26], [sflag:$0x1], $0x80, v4, vm0, $0xb8;
	[tilespmem:$0x10200] =	vst v63  }
0xf2: {  	s26 =	simm.s32 $0xA000  }
0xf3: {  	[hbm4b:s8+s2] =	stream.indirect_vreg.scatter [tilespmem:s26], [sflag:$0x1], $0x80, v4, vm0, $0xb8;
	[tilespmem:$0x10200] =	vst v63  }
0xf4: {  	v3 =	vperm.xlane v3, v2;
	s26 =	simm.s32 $0xA800  }
0xf5: {  	[hbm4b:s9+s2] =	stream.indirect_vreg.scatter [tilespmem:s26], [sflag:$0x1], $0x80, v4, vm0, $0xb8;
	[tilespmem:$0x10200] =	vst v63  }
0xf6: {  	v3 =	vadd.s32 v1, v3;
	s26 =	simm.s32 $0xB000  }
0xf7: {  	[hbm4b:s10+s2] =	stream.indirect_vreg.scatter [tilespmem:s26], [sflag:$0x1], $0x80, v4, vm0, $0xb8;
	[tilespmem:$0x10200] =	vst v63  }
0xf8: {  	s26 =	simm.s32 $0xB800  }
0xf9: {  	[hbm4b:s11+s2] =	stream.indirect_vreg.scatter [tilespmem:s26], [sflag:$0x1], $0x80, v4, vm0, $0xb8;
	[tilespmem:$0x10200] =	vst v63  }
0xfa: {  	s26 =	simm.s32 $0xC000  }
0xfb: {  	[hbm4b:s3+s2] =	stream.indirect_vreg.scatter [tilespmem:s26], [sflag:$0x1], $0x80, v3, vm0, $0xb8;
	[tilespmem:$0x10200] =	vst v63  }
0xfc: {  	s26 =	simm.s32 $0xC800  }
0xfd: {  	[hbm4b:s5+s2] =	stream.indirect_vreg.scatter [tilespmem:s26], [sflag:$0x1], $0x80, v3, vm0, $0xb8;
	[tilespmem:$0x10200] =	vst v63  }
0xfe: {  	s26 =	simm.s32 $0xD000  }
0xff: {  	[hbm4b:s6+s2] =	stream.indirect_vreg.scatter [tilespmem:s26], [sflag:$0x1], $0x80, v3, vm0, $0xb8;
	[tilespmem:$0x10200] =	vst v63  }
0x100: {  	s26 =	simm.s32 $0xD800  }
0x101: {  	[hbm4b:s7+s2] =	stream.indirect_vreg.scatter [tilespmem:s26], [sflag:$0x1], $0x80, v3, vm0, $0xb8;
	[tilespmem:$0x10200] =	vst v63  }
0x102: {  	s26 =	simm.s32 $0xE000  }
0x103: {  	[hbm4b:s8+s2] =	stream.indirect_vreg.scatter [tilespmem:s26], [sflag:$0x1], $0x80, v3, vm0, $0xb8;
	[tilespmem:$0x10200] =	vst v63  }
0x104: {  	s26 =	simm.s32 $0xE800  }
0x105: {  	[hbm4b:s9+s2] =	stream.indirect_vreg.scatter [tilespmem:s26], [sflag:$0x1], $0x80, v3, vm0, $0xb8;
	[tilespmem:$0x10200] =	vst v63  }
0x106: {  	s26 =	simm.s32 $0xF000  }
0x107: {  	[hbm4b:s10+s2] =	stream.indirect_vreg.scatter [tilespmem:s26], [sflag:$0x1], $0x80, v3, vm0, $0xb8;
	[tilespmem:$0x10200] =	vst v63  }
0x108: {  	s26 =	simm.s32 $0xF800  }
0x109: {  	[hbm4b:s11+s2] =	stream.indirect_vreg.scatter [tilespmem:s26], [sflag:$0x1], $0x80, v3, vm0, $0xb8;
	[tilespmem:$0x10200] =	vst v63  }
0x10a: {  	_ =	swait.ge [sflag:s25], $0x10000  }
0x10b: {  	[sflag:s25] =	ssyncset.done $0x0  }
0x10c: {  	s26 =	rddreg [dreg:$0x6];
	[sflag:s25] =	ssyncadd.s32 $0xFFFF0000  }
0x10d: {  	[tilespmem:s2], [sflag:$0x2] =	stream.linear.gather [hbm4b:s26+s2], $0x10000, $0x38;
	[tilespmem:$0x10200] =	vst v63  }
0x10e: {  	_ =	swait.ge [sflag:s13], $0x10000  }
0x10f: {  	[sflag:s13] =	ssyncset.done $0x0  }
0x110: {  	[sflag:s13] =	ssyncadd.s32 $0xFFFF0000  }
0x111: {  	v3 =	vld [tilespmem:$0x10180];
	_ =	sdelay $0x4  }
0x112: {  	v62 =	vshll.u32 v3, $0x4  }
0x113: {  	v3 =	vand.u32 $0x7, v3;
	v4 =	vand.u32 $0xFFFFFF80, v62  }
0x114: {  	v3 =	vor.u32 v3, v4  }
0x115: {  	v4 =	vperm.xlane v3, v0;
	_ =	sdelay $0x1  }
0x116: {  	v4 =	vadd.s32 v1, v4;
	_ =	sdelay $0x4  }
0x117: {  	[hbm4b:s3+s2] =	stream.indirect_vreg.scatter [tilespmem:s2], [sflag:$0x1], $0x80, v4, vm0, $0xb8;
	[tilespmem:$0x10200] =	vst v63  }
0x118: {  	_ = 	snop  }
0x119: {  	[hbm4b:s5+s2] =	stream.indirect_vreg.scatter [tilespmem:s28], [sflag:$0x1], $0x80, v4, vm0, $0xb8;
	[tilespmem:$0x10200] =	vst v63  }
0x11a: {  	_ = 	snop  }
0x11b: {  	[hbm4b:s6+s2] =	stream.indirect_vreg.scatter [tilespmem:s29], [sflag:$0x1], $0x80, v4, vm0, $0xb8;
	[tilespmem:$0x10200] =	vst v63  }
0x11c: {  	_ = 	snop  }
0x11d: {  	[hbm4b:s7+s2] =	stream.indirect_vreg.scatter [tilespmem:s30], [sflag:$0x1], $0x80, v4, vm0, $0xb8;
	[tilespmem:$0x10200] =	vst v63  }
0x11e: {  	_ = 	snop  }
0x11f: {  	[hbm4b:s8+s2] =	stream.indirect_vreg.scatter [tilespmem:s31], [sflag:$0x1], $0x80, v4, vm0, $0xb8;
	[tilespmem:$0x10200] =	vst v63  }
0x120: {  	v3 =	vperm.xlane v3, v2  }
0x121: {  	[hbm4b:s9+s2] =	stream.indirect_vreg.scatter [tilespmem:s0], [sflag:$0x1], $0x80, v4, vm0, $0xb8;
	[tilespmem:$0x10200] =	vst v63  }
0x122: {  	v3 =	vadd.s32 v1, v3  }
0x123: {  	[hbm4b:s10+s2] =	stream.indirect_vreg.scatter [tilespmem:s1], [sflag:$0x1], $0x80, v4, vm0, $0xb8;
	[tilespmem:$0x10200] =	vst v63  }
0x124: {  	_ = 	snop  }
0x125: {  	[hbm4b:s11+s2] =	stream.indirect_vreg.scatter [tilespmem:s4], [sflag:$0x1], $0x80, v4, vm0, $0xb8;
	[tilespmem:$0x10200] =	vst v63  }
0x126: {  	_ = 	snop  }
0x127: {  	[hbm4b:s3+s2] =	stream.indirect_vreg.scatter [tilespmem:s14], [sflag:$0x1], $0x80, v3, vm0, $0xb8;
	[tilespmem:$0x10200] =	vst v63  }
0x128: {  	_ = 	snop  }
0x129: {  	[hbm4b:s5+s2] =	stream.indirect_vreg.scatter [tilespmem:s15], [sflag:$0x1], $0x80, v3, vm0, $0xb8;
	[tilespmem:$0x10200] =	vst v63  }
0x12a: {  	_ = 	snop  }
0x12b: {  	[hbm4b:s6+s2] =	stream.indirect_vreg.scatter [tilespmem:s16], [sflag:$0x1], $0x80, v3, vm0, $0xb8;
	[tilespmem:$0x10200] =	vst v63  }
0x12c: {  	_ = 	snop  }
0x12d: {  	[hbm4b:s7+s2] =	stream.indirect_vreg.scatter [tilespmem:s17], [sflag:$0x1], $0x80, v3, vm0, $0xb8;
	[tilespmem:$0x10200] =	vst v63  }
0x12e: {  	_ = 	snop  }
0x12f: {  	[hbm4b:s8+s2] =	stream.indirect_vreg.scatter [tilespmem:s18], [sflag:$0x1], $0x80, v3, vm0, $0xb8;
	[tilespmem:$0x10200] =	vst v63  }
0x130: {  	_ = 	snop  }
0x131: {  	[hbm4b:s9+s2] =	stream.indirect_vreg.scatter [tilespmem:s19], [sflag:$0x1], $0x80, v3, vm0, $0xb8;
	[tilespmem:$0x10200] =	vst v63  }
0x132: {  	_ = 	snop  }
0x133: {  	[hbm4b:s10+s2] =	stream.indirect_vreg.scatter [tilespmem:s20], [sflag:$0x1], $0x80, v3, vm0, $0xb8;
	[tilespmem:$0x10200] =	vst v63  }
0x134: {  	_ = 	snop  }
0x135: {  	[hbm4b:s11+s2] =	stream.indirect_vreg.scatter [tilespmem:s21], [sflag:$0x1], $0x80, v3, vm0, $0xb8;
	[tilespmem:$0x10200] =	vst v63  }
0x136: {  	v3 =	vld [tilespmem:$0x10190];
	_ =	sdelay $0x4  }
0x137: {  	v63 =	vshll.u32 v3, $0x4  }
0x138: {  	v3 =	vand.u32 $0x7, v3;
	v4 =	vand.u32 $0xFFFFFF80, v63  }
0x139: {  	v3 =	vor.u32 v3, v4  }
0x13a: {  	v4 =	vperm.xlane v3, v0;
	_ =	sdelay $0x1  }
0x13b: {  	v4 =	vadd.s32 v1, v4;
	_ =	sdelay $0x4  }
0x13c: {  	[hbm4b:s3+s2] =	stream.indirect_vreg.scatter [tilespmem:s22], [sflag:$0x1], $0x80, v4, vm0, $0xb8;
	[tilespmem:$0x10200] =	vst v63  }
0x13d: {  	_ = 	snop  }
0x13e: {  	[hbm4b:s5+s2] =	stream.indirect_vreg.scatter [tilespmem:s23], [sflag:$0x1], $0x80, v4, vm0, $0xb8;
	[tilespmem:$0x10200] =	vst v63  }
0x13f: {  	_ = 	snop  }
0x140: {  	[hbm4b:s6+s2] =	stream.indirect_vreg.scatter [tilespmem:s24], [sflag:$0x1], $0x80, v4, vm0, $0xb8;
	[tilespmem:$0x10200] =	vst v63  }
0x141: {  	s28 =	simm.s32 $0x9800  }
0x142: {  	[hbm4b:s7+s2] =	stream.indirect_vreg.scatter [tilespmem:s28], [sflag:$0x1], $0x80, v4, vm0, $0xb8;
	[tilespmem:$0x10200] =	vst v63  }
0x143: {  	s26 =	simm.s32 $0xA000  }
0x144: {  	[hbm4b:s8+s2] =	stream.indirect_vreg.scatter [tilespmem:s26], [sflag:$0x1], $0x80, v4, vm0, $0xb8;
	[tilespmem:$0x10200] =	vst v63  }
0x145: {  	v3 =	vperm.xlane v3, v2;
	s28 =	simm.s32 $0xA800  }
0x146: {  	[hbm4b:s9+s2] =	stream.indirect_vreg.scatter [tilespmem:s28], [sflag:$0x1], $0x80, v4, vm0, $0xb8;
	[tilespmem:$0x10200] =	vst v63  }
0x147: {  	v3 =	vadd.s32 v1, v3;
	s26 =	simm.s32 $0xB000  }
0x148: {  	[hbm4b:s10+s2] =	stream.indirect_vreg.scatter [tilespmem:s26], [sflag:$0x1], $0x80, v4, vm0, $0xb8;
	[tilespmem:$0x10200] =	vst v63  }
0x149: {  	s28 =	simm.s32 $0xB800  }
0x14a: {  	[hbm4b:s11+s2] =	stream.indirect_vreg.scatter [tilespmem:s28], [sflag:$0x1], $0x80, v4, vm0, $0xb8;
	[tilespmem:$0x10200] =	vst v63  }
0x14b: {  	s26 =	simm.s32 $0xC000  }
0x14c: {  	[hbm4b:s3+s2] =	stream.indirect_vreg.scatter [tilespmem:s26], [sflag:$0x1], $0x80, v3, vm0, $0xb8;
	[tilespmem:$0x10200] =	vst v63  }
0x14d: {  	s28 =	simm.s32 $0xC800  }
0x14e: {  	[hbm4b:s5+s2] =	stream.indirect_vreg.scatter [tilespmem:s28], [sflag:$0x1], $0x80, v3, vm0, $0xb8;
	[tilespmem:$0x10200] =	vst v63  }
0x14f: {  	s26 =	simm.s32 $0xD000  }
0x150: {  	[hbm4b:s6+s2] =	stream.indirect_vreg.scatter [tilespmem:s26], [sflag:$0x1], $0x80, v3, vm0, $0xb8;
	[tilespmem:$0x10200] =	vst v63  }
0x151: {  	s28 =	simm.s32 $0xD800  }
0x152: {  	[hbm4b:s7+s2] =	stream.indirect_vreg.scatter [tilespmem:s28], [sflag:$0x1], $0x80, v3, vm0, $0xb8;
	[tilespmem:$0x10200] =	vst v63  }
0x153: {  	s26 =	simm.s32 $0xE000  }
0x154: {  	[hbm4b:s8+s2] =	stream.indirect_vreg.scatter [tilespmem:s26], [sflag:$0x1], $0x80, v3, vm0, $0xb8;
	[tilespmem:$0x10200] =	vst v63  }
0x155: {  	s28 =	simm.s32 $0xE800  }
0x156: {  	[hbm4b:s9+s2] =	stream.indirect_vreg.scatter [tilespmem:s28], [sflag:$0x1], $0x80, v3, vm0, $0xb8;
	[tilespmem:$0x10200] =	vst v63  }
0x157: {  	p0 =	sne.s32 s12, $0x1;
	s26 =	simm.s32 $0xF000  }
0x158: {  	[hbm4b:s10+s2] =	stream.indirect_vreg.scatter [tilespmem:s26], [sflag:$0x1], $0x80, v3, vm0, $0xb8;
	[tilespmem:$0x10200] =	vst v63  }
.Ltmp0:
0x159: {  	s28 =	simm.s32 $0xF800;
	(pc) =	sbr.rel @p0 .LBB2_1-.Ltmp0, $4  }
0x15a: {  	[hbm4b:s11+s2] =	stream.indirect_vreg.scatter [tilespmem:s28], [sflag:$0x1], $0x80, v3, vm0, $0xb8;
	[tilespmem:$0x10200] =	vst v63  }
0x15b: {  	_ =	swait.ge [sflag:s25], $0x10000  }
0x15c: {  	[sflag:s25] =	ssyncset.done $0x0  }
0x15d: {  	s12 =	sadd.s32 $0xFFFFFFFF, s12;
	[sflag:s25] =	ssyncadd.s32 $0xFFFF0000  }
0x15e: {  	_ =	sfence.sel $0x180000  }
0x15f: {  	[bflag:$0x0] =	sbarrier.arrive $0xFFFF  }
0x160: {  	_ =	strace $0x90000047  }
0x161: {  	s0 =	stileid.u32;
	[bflag:$0x2] =	sbarrier.arrive $0xFFFF  }
0x162: {  	p0 =	sne.s32 s0, $0x0;
	s0 =	rddreg [dreg:$0x2]  }
0x163: {  	s0 =	sadd.s32 @!p0 $0x100000, s0  }
0x164: {  	[sflag:s0] =	ssyncadd.tile.s32 @!p0 $0x1;
	_ =	shalt  }
.Lfunc_end2:
_tile_overlayer_lowered:
.L_overlay_start_2:
0x165: {  	(tag) =	ssettag $0x2  }
0x166: {  	s0 =	rddreg [dreg:$0x0];
	s2 =	stileid.u32  }
0x167: {  	s1 =	rddreg [dreg:$0x1];
	p0 =	sne.s32 s2, $0x0  }
0x168: {  	s3 =	rddreg [dreg:$0x2];
	[bflag:$0x3] =	sbarrier.arrive $0xFFFF;
	s2 =	simm.s32 @!p0 $0x1C02  }
0x169: {  	[timem:s3], [sflag:s2] =	dma.local @!p0 [hbm:s0], s1  }
0x16a: {  	s0 =	simm.s32 @!p0 $0x2  }
0x16b: {  	_ =	swait.ge @!p0 [sflag:s0], s1  }
0x16c: {  	s1 =	ssub.s32 @!p0 $0x0, s1;
	[sflag:s0] =	ssyncset.done @!p0 $0x0  }
0x16d: {  	[sflag:s0] =	ssyncadd.s32 @!p0 s1  }
0x16e: {  	[bflag:$0x3] =	sbarrier.arrive $0xFFFF  }
0x16f: {  	_ =	shalt  }

</sc_bundles>
